<compile_context>
chip_gen: v7x
topology: tpu7x:2x2x1
jax: 0.10.2.dev20260603
libtpu: 0.0.44.dev20260713+nightly
codegen_flags: <defaults>
</compile_context>

<pallas_src>
import functools

import jax
import jax.numpy as jnp
from jax import lax
from jax.experimental import pallas as pl
from jax.experimental.pallas import tpu as pltpu
from jax.experimental.pallas import tpu_sc as plsc

EPS = 1e-12
_NW = 32
_CHUNK = 32
_NBUF = 4


def _sc_gather(table, idx):
    bdim, sdim = idx.shape
    tok = bdim * sdim
    h = table.shape[1]
    bpw = tok // _NW
    nchunks = bpw // _CHUNK
    wpr = sdim // bpw

    mesh = plsc.VectorSubcoreMesh(core_axis_name="c", subcore_axis_name="s")

    @functools.partial(
        pl.kernel,
        mesh=mesh,
        out_type=jax.ShapeDtypeStruct((tok, h), jnp.float32),
        scratch_types=(
            [pltpu.VMEM((bpw,), jnp.int32)]
            + [pltpu.VMEM((_CHUNK, h), jnp.float32) for _ in range(_NBUF)]
            + [pltpu.SemaphoreType.DMA for _ in range(2 * _NBUF)]
        ),
    )
    def gather_kernel(table_hbm, idx_hbm, out_hbm, idx_v, *rest):
        bufs = rest[:_NBUF]
        gsems = rest[_NBUF:2 * _NBUF]
        wsems = rest[2 * _NBUF:]
        wid = lax.axis_index("s") * 2 + lax.axis_index("c")
        base = wid * bpw
        pltpu.sync_copy(
            idx_hbm.at[wid // wpr, pl.ds((wid % wpr) * bpw, bpw)], idx_v)

        def gather_start(g):
            b = g % _NBUF
            return pltpu.async_copy(
                table_hbm.at[idx_v.at[pl.ds(g * _CHUNK, _CHUNK)]],
                bufs[b], gsems[b])

        gcp = {g: gather_start(g) for g in range(min(_NBUF, nchunks))}
        wcp = {}
        for g in range(nchunks):
            b = g % _NBUF
            gcp[g].wait()
            wcp[g] = pltpu.async_copy(
                bufs[b], out_hbm.at[pl.ds(base + g * _CHUNK, _CHUNK)],
                wsems[b])
            nxt = g + _NBUF
            if nxt < nchunks:
                wcp[g].wait()
                gcp[nxt] = gather_start(nxt)
        for g in range(max(0, nchunks - _NBUF), nchunks):
            wcp[g].wait()

    return gather_kernel(table, idx)


def _ln_body(g_ref, pos_ref, t_ref, type_ref, gamma_ref, beta_ref, out_ref):
    h = g_ref.shape[-1]
    delta = type_ref[1:2, :] - type_ref[0:1, :]
    x = g_ref[...] + pos_ref[...] + t_ref[...] * delta + type_ref[0:1, :]
    u = jnp.mean(x, axis=-1, keepdims=True)
    xc = x - u
    s = jnp.mean(xc * xc, axis=-1, keepdims=True)
    y = xc * lax.rsqrt(s + EPS)
    out_ref[...] = y * gamma_ref[...] + beta_ref[...]


def _fused_ln(gathered, pos, t, type_emb, gamma, beta, block_rows=2048):
    tok, h = gathered.shape
    s_rows = pos.shape[0]
    bps = s_rows // block_rows
    nb = tok // s_rows
    row_block = lambda j, i: (i * bps + j, 0)
    return pl.pallas_call(
        _ln_body,
        out_shape=jax.ShapeDtypeStruct((tok, h), jnp.float32),
        grid=(bps, nb),
        in_specs=[
            pl.BlockSpec((block_rows, h), row_block),
            pl.BlockSpec((block_rows, h), lambda j, i: (j, 0)),
            pl.BlockSpec((block_rows, 1), row_block),
            pl.BlockSpec((2, h), lambda j, i: (0, 0)),
            pl.BlockSpec((1, h), lambda j, i: (0, 0)),
            pl.BlockSpec((1, h), lambda j, i: (0, 0)),
        ],
        out_specs=pl.BlockSpec((block_rows, h), row_block),
    )(gathered, pos, t, type_emb, gamma.reshape(1, h), beta.reshape(1, h))


def kernel(input_ids, token_type_ids, word_emb, pos_emb, type_emb,
           ln_gamma, ln_beta):
    b, s = input_ids.shape
    h = word_emb.shape[1]
    tok = b * s

    gathered = _sc_gather(word_emb, input_ids.astype(jnp.int32))

    t = token_type_ids.reshape(tok, 1).astype(jnp.float32)
    out = _fused_ln(gathered, pos_emb[:s], t, type_emb, ln_gamma, ln_beta)
    return out.reshape(b, s, h)

# --- scband reference (transcript-rebuilt; emitter-appended) ---
"""Pipeline reference for scband-bert-embeddings-1915555414127 (READ-ONLY COPY).

The authoritative reference and input builder live on the scoring server;
editing this copy changes nothing except your own understanding.
"""

import jax, jax.numpy as jnp
import numpy as np

VOCAB = 21128
MAX_POS = 2048
HIDDEN = 768
TYPE_VOCAB = 2
B, S = 4, 2048
EPS = 1e-12

def setup_inputs(seed: int = 0) -> dict:
    key = jax.random.key(seed)
    k1, k2, k3, k4, k5 = jax.random.split(key, 5)
    input_ids = jax.random.randint(k1, (B, S), 0, VOCAB, dtype=jnp.int64 if jax.config.read('jax_enable_x64') else jnp.int32)
    token_type_ids = jax.random.randint(k2, (B, S), 0, TYPE_VOCAB, dtype=input_ids.dtype)
    word_emb = jax.random.normal(k3, (VOCAB, HIDDEN), dtype=jnp.float32) * 0.02
    word_emb = word_emb.at[0].set(0.0)  # padding_idx=0
    pos_emb = jax.random.normal(k4, (MAX_POS, HIDDEN), dtype=jnp.float32) * 0.02
    type_emb = jax.random.normal(k5, (TYPE_VOCAB, HIDDEN), dtype=jnp.float32) * 0.02
    ln_gamma = jnp.ones((HIDDEN,), dtype=jnp.float32)
    ln_beta = jnp.zeros((HIDDEN,), dtype=jnp.float32)
    return {"input_ids": input_ids, "token_type_ids": token_type_ids,
            "word_emb": word_emb, "pos_emb": pos_emb, "type_emb": type_emb,
            "ln_gamma": ln_gamma, "ln_beta": ln_beta}

def _layer_norm(x, gamma, beta):
    u = jnp.mean(x, axis=-1, keepdims=True)
    s = jnp.mean((x - u) ** 2, axis=-1, keepdims=True)
    x = (x - u) / jnp.sqrt(s + EPS)
    return gamma * x + beta

def reference(input_ids, token_type_ids, word_emb, pos_emb, type_emb, ln_gamma, ln_beta):
    seq_length = input_ids.shape[1]
    position_ids = jnp.broadcast_to(jnp.arange(seq_length, dtype=input_ids.dtype)[None, :], input_ids.shape)
    words_embeddings = jnp.take(word_emb, input_ids, axis=0)
    position_embeddings = jnp.take(pos_emb, position_ids, axis=0)
    token_type_embeddings = jnp.take(type_emb, token_type_ids, axis=0)
    embeddings = words_embeddings + position_embeddings + token_type_embeddings
    embeddings = _layer_norm(embeddings, ln_gamma, ln_beta)
    # dropout is identity in eval mode
    return embeddings

if __name__ == "__main__":
    import jax
    _d = setup_inputs()
    print(jax.jit(kernel)(*tuple(_d.values())))

</pallas_src>

<mosaic_0001>
#map = affine_map<(d0, d1) -> (0, 0)>
module attributes {stable_mosaic.version = 14 : i64} {
  func.func @gather_kernel(%arg0: i32, %arg1: i32, %arg2: memref<21128x768xf32, #tpu.memory_space<hbm>>, %arg3: memref<4x2048xi32, #tpu.memory_space<hbm>>, %arg4: memref<8192x768xf32, #tpu.memory_space<hbm>>, %arg5: memref<256xi32, #tpu.memory_space<vmem>>, %arg6: memref<32x768xf32, #tpu.memory_space<vmem>>, %arg7: memref<32x768xf32, #tpu.memory_space<vmem>>, %arg8: memref<32x768xf32, #tpu.memory_space<vmem>>, %arg9: memref<32x768xf32, #tpu.memory_space<vmem>>, %arg10: memref<!tpu.dma_semaphore, #tpu.memory_space<semaphore_mem>>, %arg11: memref<!tpu.dma_semaphore, #tpu.memory_space<semaphore_mem>>, %arg12: memref<!tpu.dma_semaphore, #tpu.memory_space<semaphore_mem>>, %arg13: memref<!tpu.dma_semaphore, #tpu.memory_space<semaphore_mem>>, %arg14: memref<!tpu.dma_semaphore, #tpu.memory_space<semaphore_mem>>, %arg15: memref<!tpu.dma_semaphore, #tpu.memory_space<semaphore_mem>>, %arg16: memref<!tpu.dma_semaphore, #tpu.memory_space<semaphore_mem>>, %arg17: memref<!tpu.dma_semaphore, #tpu.memory_space<semaphore_mem>>) attributes {dimension_semantics = [#tpu.dimension_semantics<core_parallel>, #tpu.dimension_semantics<subcore_parallel>], iteration_bounds = array<i64: 2, 16>, scalar_prefetch = 0 : i64, scratch_operands = 13 : i64, tpu.core_type = #tpu.core_type<sc_vector_subcore>, window_params = [{transform_indices = #map}, {transform_indices = #map}, {transform_indices = #map}]} {
    %mul3A = arith.constant 2 : i32
    %mul3A_0 = arith.muli %arg1, %mul3A : i32
    %add3A = arith.addi %mul3A_0, %arg0 : i32
    %mul3A_1 = arith.constant 256 : i32
    %mul3A_2 = arith.muli %add3A, %mul3A_1 : i32
    %jit3A = arith.constant 8 : i32
    %div3A = arith.divsi %add3A, %jit3A : i32
    %sign3A = arith.constant 0 : i32
    %sign3A_3 = arith.cmpi sgt, %add3A, %sign3A : i32
    %sign3A_4 = arith.extui %sign3A_3 : i1 to i32
    %sign3A_5 = arith.constant 0 : i32
    %sign3A_6 = arith.cmpi slt, %add3A, %sign3A_5 : i32
    %sign3A_7 = arith.extui %sign3A_6 : i1 to i32
    %sign3A_8 = arith.subi %sign3A_4, %sign3A_7 : i32
    %sign3A_9 = arith.constant 0 : i32
    %sign3A_10 = arith.cmpi sgt, %jit3A, %sign3A_9 : i32
    %sign3A_11 = arith.extui %sign3A_10 : i1 to i32
    %sign3A_12 = arith.constant 0 : i32
    %sign3A_13 = arith.cmpi slt, %jit3A, %sign3A_12 : i32
    %sign3A_14 = arith.extui %sign3A_13 : i1 to i32
    %sign3A_15 = arith.subi %sign3A_11, %sign3A_14 : i32
    %ne3A = arith.cmpi ne, %sign3A_8, %sign3A_15 : i32
    %rem3A = arith.remsi %add3A, %jit3A : i32
    %ne3A_16 = arith.constant 0 : i32
    %ne3A_17 = arith.cmpi ne, %rem3A, %ne3A_16 : i32
    %and3A = arith.andi %ne3A, %ne3A_17 : i1
    %sub3A = arith.constant 1 : i32
    %sub3A_18 = arith.subi %div3A, %sub3A : i32
    %select_n3A = arith.select %and3A, %sub3A_18, %div3A : i32
    %jit3A_19 = arith.constant 8 : i32
    %eq3A = arith.constant 0 : i32
    %eq3A_20 = arith.cmpi eq, %jit3A_19, %eq3A : i32
    %jit3A_21 = arith.constant 1 : i32
    %select_n3A_22 = arith.select %eq3A_20, %jit3A_21, %jit3A_19 : i32
    %rem3A_23 = arith.remsi %add3A, %select_n3A_22 : i32
    %ne3A_24 = arith.constant 0 : i32
    %ne3A_25 = arith.cmpi ne, %rem3A_23, %ne3A_24 : i32
    %lt3A = arith.constant 0 : i32
    %lt3A_26 = arith.cmpi slt, %rem3A_23, %lt3A : i32
    %lt3A_27 = arith.constant 0 : i32
    %lt3A_28 = arith.cmpi slt, %select_n3A_22, %lt3A_27 : i32
    %ne3A_29 = arith.xori %lt3A_26, %lt3A_28 : i1
    %and3A_30 = arith.andi %ne3A_29, %ne3A_25 : i1
    %add3A_31 = arith.addi %rem3A_23, %select_n3A_22 : i32
    %select_n3A_32 = arith.select %and3A_30, %add3A_31, %rem3A_23 : i32
    %mul3A_33 = arith.constant 256 : i32
    %mul3A_34 = arith.muli %select_n3A_32, %mul3A_33 : i32
    "tpu.region"() ({
      %run_scoped3A = tpu.sem_alloc : memref<!tpu.dma_semaphore, #tpu.memory_space<semaphore_mem>>
      %dma_start3A_193 = tpu.memref_slice %arg3[%select_n3A, %mul3A_34] : memref<4x2048xi32, #tpu.memory_space<hbm>> -> memref<1x256xi32, #tpu.memory_space<hbm>>
      %dma_start3A_194 = tpu.memref_squeeze %dma_start3A_193 : memref<1x256xi32, #tpu.memory_space<hbm>> -> memref<256xi32, #tpu.memory_space<hbm>>
      %dma_start3A_195 = tpu.memref_slice %arg3[%select_n3A, %mul3A_34] : memref<4x2048xi32, #tpu.memory_space<hbm>> -> memref<1x256xi32, #tpu.memory_space<hbm>>
      %dma_start3A_196 = tpu.memref_squeeze %dma_start3A_195 : memref<1x256xi32, #tpu.memory_space<hbm>> -> memref<256xi32, #tpu.memory_space<hbm>>
      tpu.enqueue_dma source(%dma_start3A_196 : memref<256xi32, #tpu.memory_space<hbm>>) target(%arg5 : memref<256xi32, #tpu.memory_space<vmem>>) target_semaphore(%run_scoped3A : memref<!tpu.dma_semaphore, #tpu.memory_space<semaphore_mem>>)
      %dma_wait3A_197 = tpu.memref_slice %arg3[%select_n3A, %mul3A_34] : memref<4x2048xi32, #tpu.memory_space<hbm>> -> memref<1x256xi32, #tpu.memory_space<hbm>>
      %dma_wait3A_198 = tpu.memref_squeeze %dma_wait3A_197 : memref<1x256xi32, #tpu.memory_space<hbm>> -> memref<256xi32, #tpu.memory_space<hbm>>
      %dma_wait3A_199 = tpu.memref_slice %arg3[%select_n3A, %mul3A_34] : memref<4x2048xi32, #tpu.memory_space<hbm>> -> memref<1x256xi32, #tpu.memory_space<hbm>>
      %dma_wait3A_200 = tpu.memref_squeeze %dma_wait3A_199 : memref<1x256xi32, #tpu.memory_space<hbm>> -> memref<256xi32, #tpu.memory_space<hbm>>
      tpu.wait_dma2 semaphore(%run_scoped3A : memref<!tpu.dma_semaphore, #tpu.memory_space<semaphore_mem>>) src(%dma_wait3A_200 : memref<256xi32, #tpu.memory_space<hbm>>) dst(%arg5 : memref<256xi32, #tpu.memory_space<vmem>>)
      tpu.yield
    }) : () -> ()
    %dma_start3A = arith.constant 0 : i32
    %dma_start3A_35 = tpu.memref_slice %arg5[%dma_start3A] : memref<256xi32, #tpu.memory_space<vmem>> -> memref<32xi32, #tpu.memory_space<vmem>>
    %dma_start3A_36 = arith.constant 0 : i32
    %dma_start3A_37 = arith.constant 0 : i32
    %dma_start3A_38 = tpu.memref_slice %arg2[%dma_start3A_36, %dma_start3A_37] : memref<21128x768xf32, #tpu.memory_space<hbm>> -> memref<21128x768xf32, #tpu.memory_space<hbm>>
    tpu.enqueue_indirect_dma source(%dma_start3A_38 : memref<21128x768xf32, #tpu.memory_space<hbm>>) target(%arg6 : memref<32x768xf32, #tpu.memory_space<vmem>>) offsets(%dma_start3A_35 : memref<32xi32, #tpu.memory_space<vmem>>) semaphore(%arg10 : memref<!tpu.dma_semaphore, #tpu.memory_space<semaphore_mem>>)
    %dma_start3A_39 = arith.constant 32 : i32
    %dma_start3A_40 = tpu.memref_slice %arg5[%dma_start3A_39] : memref<256xi32, #tpu.memory_space<vmem>> -> memref<32xi32, #tpu.memory_space<vmem>>
    %dma_start3A_41 = arith.constant 0 : i32
    %dma_start3A_42 = arith.constant 0 : i32
    %dma_start3A_43 = tpu.memref_slice %arg2[%dma_start3A_41, %dma_start3A_42] : memref<21128x768xf32, #tpu.memory_space<hbm>> -> memref<21128x768xf32, #tpu.memory_space<hbm>>
    tpu.enqueue_indirect_dma source(%dma_start3A_43 : memref<21128x768xf32, #tpu.memory_space<hbm>>) target(%arg7 : memref<32x768xf32, #tpu.memory_space<vmem>>) offsets(%dma_start3A_40 : memref<32xi32, #tpu.memory_space<vmem>>) semaphore(%arg11 : memref<!tpu.dma_semaphore, #tpu.memory_space<semaphore_mem>>)
    %dma_start3A_44 = arith.constant 64 : i32
    %dma_start3A_45 = tpu.memref_slice %arg5[%dma_start3A_44] : memref<256xi32, #tpu.memory_space<vmem>> -> memref<32xi32, #tpu.memory_space<vmem>>
    %dma_start3A_46 = arith.constant 0 : i32
    %dma_start3A_47 = arith.constant 0 : i32
    %dma_start3A_48 = tpu.memref_slice %arg2[%dma_start3A_46, %dma_start3A_47] : memref<21128x768xf32, #tpu.memory_space<hbm>> -> memref<21128x768xf32, #tpu.memory_space<hbm>>
    tpu.enqueue_indirect_dma source(%dma_start3A_48 : memref<21128x768xf32, #tpu.memory_space<hbm>>) target(%arg8 : memref<32x768xf32, #tpu.memory_space<vmem>>) offsets(%dma_start3A_45 : memref<32xi32, #tpu.memory_space<vmem>>) semaphore(%arg12 : memref<!tpu.dma_semaphore, #tpu.memory_space<semaphore_mem>>)
    %dma_start3A_49 = arith.constant 96 : i32
    %dma_start3A_50 = tpu.memref_slice %arg5[%dma_start3A_49] : memref<256xi32, #tpu.memory_space<vmem>> -> memref<32xi32, #tpu.memory_space<vmem>>
    %dma_start3A_51 = arith.constant 0 : i32
    %dma_start3A_52 = arith.constant 0 : i32
    %dma_start3A_53 = tpu.memref_slice %arg2[%dma_start3A_51, %dma_start3A_52] : memref<21128x768xf32, #tpu.memory_space<hbm>> -> memref<21128x768xf32, #tpu.memory_space<hbm>>
    tpu.enqueue_indirect_dma source(%dma_start3A_53 : memref<21128x768xf32, #tpu.memory_space<hbm>>) target(%arg9 : memref<32x768xf32, #tpu.memory_space<vmem>>) offsets(%dma_start3A_50 : memref<32xi32, #tpu.memory_space<vmem>>) semaphore(%arg13 : memref<!tpu.dma_semaphore, #tpu.memory_space<semaphore_mem>>)
    %dma_wait3A = arith.constant 0 : i32
    %dma_wait3A_54 = tpu.memref_slice %arg5[%dma_wait3A] : memref<256xi32, #tpu.memory_space<vmem>> -> memref<32xi32, #tpu.memory_space<vmem>>
    %dma_wait3A_55 = arith.constant 0 : i32
    %dma_wait3A_56 = arith.constant 0 : i32
    %dma_wait3A_57 = tpu.memref_slice %arg2[%dma_wait3A_55, %dma_wait3A_56] : memref<21128x768xf32, #tpu.memory_space<hbm>> -> memref<21128x768xf32, #tpu.memory_space<hbm>>
    tpu.wait_indirect_dma semaphore(%arg10 : memref<!tpu.dma_semaphore, #tpu.memory_space<semaphore_mem>>) src(%dma_wait3A_57 : memref<21128x768xf32, #tpu.memory_space<hbm>>) dst(%arg6 : memref<32x768xf32, #tpu.memory_space<vmem>>)
    %add3A_58 = arith.constant 0 : i32
    %add3A_59 = arith.addi %mul3A_2, %add3A_58 : i32
    %dma_start3A_60 = arith.constant 0 : i32
    %dma_start3A_61 = tpu.memref_slice %arg4[%add3A_59, %dma_start3A_60] : memref<8192x768xf32, #tpu.memory_space<hbm>> -> memref<32x768xf32, #tpu.memory_space<hbm>>
    %dma_start3A_62 = arith.constant 0 : i32
    %dma_start3A_63 = tpu.memref_slice %arg4[%add3A_59, %dma_start3A_62] : memref<8192x768xf32, #tpu.memory_space<hbm>> -> memref<32x768xf32, #tpu.memory_space<hbm>>
    tpu.enqueue_dma source(%arg6 : memref<32x768xf32, #tpu.memory_space<vmem>>) target(%dma_start3A_63 : memref<32x768xf32, #tpu.memory_space<hbm>>) target_semaphore(%arg14 : memref<!tpu.dma_semaphore, #tpu.memory_space<semaphore_mem>>)
    %dma_wait3A_64 = arith.constant 0 : i32
    %dma_wait3A_65 = tpu.memref_slice %arg4[%add3A_59, %dma_wait3A_64] : memref<8192x768xf32, #tpu.memory_space<hbm>> -> memref<32x768xf32, #tpu.memory_space<hbm>>
    %dma_wait3A_66 = arith.constant 0 : i32
    %dma_wait3A_67 = tpu.memref_slice %arg4[%add3A_59, %dma_wait3A_66] : memref<8192x768xf32, #tpu.memory_space<hbm>> -> memref<32x768xf32, #tpu.memory_space<hbm>>
    tpu.wait_dma2 semaphore(%arg14 : memref<!tpu.dma_semaphore, #tpu.memory_space<semaphore_mem>>) src(%arg6 : memref<32x768xf32, #tpu.memory_space<vmem>>) dst(%dma_wait3A_67 : memref<32x768xf32, #tpu.memory_space<hbm>>)
    %dma_start3A_68 = arith.constant 128 : i32
    %dma_start3A_69 = tpu.memref_slice %arg5[%dma_start3A_68] : memref<256xi32, #tpu.memory_space<vmem>> -> memref<32xi32, #tpu.memory_space<vmem>>
    %dma_start3A_70 = arith.constant 0 : i32
    %dma_start3A_71 = arith.constant 0 : i32
    %dma_start3A_72 = tpu.memref_slice %arg2[%dma_start3A_70, %dma_start3A_71] : memref<21128x768xf32, #tpu.memory_space<hbm>> -> memref<21128x768xf32, #tpu.memory_space<hbm>>
    tpu.enqueue_indirect_dma source(%dma_start3A_72 : memref<21128x768xf32, #tpu.memory_space<hbm>>) target(%arg6 : memref<32x768xf32, #tpu.memory_space<vmem>>) offsets(%dma_start3A_69 : memref<32xi32, #tpu.memory_space<vmem>>) semaphore(%arg10 : memref<!tpu.dma_semaphore, #tpu.memory_space<semaphore_mem>>)
    %dma_wait3A_73 = arith.constant 32 : i32
    %dma_wait3A_74 = tpu.memref_slice %arg5[%dma_wait3A_73] : memref<256xi32, #tpu.memory_space<vmem>> -> memref<32xi32, #tpu.memory_space<vmem>>
    %dma_wait3A_75 = arith.constant 0 : i32
    %dma_wait3A_76 = arith.constant 0 : i32
    %dma_wait3A_77 = tpu.memref_slice %arg2[%dma_wait3A_75, %dma_wait3A_76] : memref<21128x768xf32, #tpu.memory_space<hbm>> -> memref<21128x768xf32, #tpu.memory_space<hbm>>
    tpu.wait_indirect_dma semaphore(%arg11 : memref<!tpu.dma_semaphore, #tpu.memory_space<semaphore_mem>>) src(%dma_wait3A_77 : memref<21128x768xf32, #tpu.memory_space<hbm>>) dst(%arg7 : memref<32x768xf32, #tpu.memory_space<vmem>>)
    %add3A_78 = arith.constant 32 : i32
    %add3A_79 = arith.addi %mul3A_2, %add3A_78 : i32
    %dma_start3A_80 = arith.constant 0 : i32
    %dma_start3A_81 = tpu.memref_slice %arg4[%add3A_79, %dma_start3A_80] : memref<8192x768xf32, #tpu.memory_space<hbm>> -> memref<32x768xf32, #tpu.memory_space<hbm>>
    %dma_start3A_82 = arith.constant 0 : i32
    %dma_start3A_83 = tpu.memref_slice %arg4[%add3A_79, %dma_start3A_82] : memref<8192x768xf32, #tpu.memory_space<hbm>> -> memref<32x768xf32, #tpu.memory_space<hbm>>
    tpu.enqueue_dma source(%arg7 : memref<32x768xf32, #tpu.memory_space<vmem>>) target(%dma_start3A_83 : memref<32x768xf32, #tpu.memory_space<hbm>>) target_semaphore(%arg15 : memref<!tpu.dma_semaphore, #tpu.memory_space<semaphore_mem>>)
    %dma_wait3A_84 = arith.constant 0 : i32
    %dma_wait3A_85 = tpu.memref_slice %arg4[%add3A_79, %dma_wait3A_84] : memref<8192x768xf32, #tpu.memory_space<hbm>> -> memref<32x768xf32, #tpu.memory_space<hbm>>
    %dma_wait3A_86 = arith.constant 0 : i32
    %dma_wait3A_87 = tpu.memref_slice %arg4[%add3A_79, %dma_wait3A_86] : memref<8192x768xf32, #tpu.memory_space<hbm>> -> memref<32x768xf32, #tpu.memory_space<hbm>>
    tpu.wait_dma2 semaphore(%arg15 : memref<!tpu.dma_semaphore, #tpu.memory_space<semaphore_mem>>) src(%arg7 : memref<32x768xf32, #tpu.memory_space<vmem>>) dst(%dma_wait3A_87 : memref<32x768xf32, #tpu.memory_space<hbm>>)
    %dma_start3A_88 = arith.constant 160 : i32
    %dma_start3A_89 = tpu.memref_slice %arg5[%dma_start3A_88] : memref<256xi32, #tpu.memory_space<vmem>> -> memref<32xi32, #tpu.memory_space<vmem>>
    %dma_start3A_90 = arith.constant 0 : i32
    %dma_start3A_91 = arith.constant 0 : i32
    %dma_start3A_92 = tpu.memref_slice %arg2[%dma_start3A_90, %dma_start3A_91] : memref<21128x768xf32, #tpu.memory_space<hbm>> -> memref<21128x768xf32, #tpu.memory_space<hbm>>
    tpu.enqueue_indirect_dma source(%dma_start3A_92 : memref<21128x768xf32, #tpu.memory_space<hbm>>) target(%arg7 : memref<32x768xf32, #tpu.memory_space<vmem>>) offsets(%dma_start3A_89 : memref<32xi32, #tpu.memory_space<vmem>>) semaphore(%arg11 : memref<!tpu.dma_semaphore, #tpu.memory_space<semaphore_mem>>)
    %dma_wait3A_93 = arith.constant 64 : i32
    %dma_wait3A_94 = tpu.memref_slice %arg5[%dma_wait3A_93] : memref<256xi32, #tpu.memory_space<vmem>> -> memref<32xi32, #tpu.memory_space<vmem>>
    %dma_wait3A_95 = arith.constant 0 : i32
    %dma_wait3A_96 = arith.constant 0 : i32
    %dma_wait3A_97 = tpu.memref_slice %arg2[%dma_wait3A_95, %dma_wait3A_96] : memref<21128x768xf32, #tpu.memory_space<hbm>> -> memref<21128x768xf32, #tpu.memory_space<hbm>>
    tpu.wait_indirect_dma semaphore(%arg12 : memref<!tpu.dma_semaphore, #tpu.memory_space<semaphore_mem>>) src(%dma_wait3A_97 : memref<21128x768xf32, #tpu.memory_space<hbm>>) dst(%arg8 : memref<32x768xf32, #tpu.memory_space<vmem>>)
    %add3A_98 = arith.constant 64 : i32
    %add3A_99 = arith.addi %mul3A_2, %add3A_98 : i32
    %dma_start3A_100 = arith.constant 0 : i32
    %dma_start3A_101 = tpu.memref_slice %arg4[%add3A_99, %dma_start3A_100] : memref<8192x768xf32, #tpu.memory_space<hbm>> -> memref<32x768xf32, #tpu.memory_space<hbm>>
    %dma_start3A_102 = arith.constant 0 : i32
    %dma_start3A_103 = tpu.memref_slice %arg4[%add3A_99, %dma_start3A_102] : memref<8192x768xf32, #tpu.memory_space<hbm>> -> memref<32x768xf32, #tpu.memory_space<hbm>>
    tpu.enqueue_dma source(%arg8 : memref<32x768xf32, #tpu.memory_space<vmem>>) target(%dma_start3A_103 : memref<32x768xf32, #tpu.memory_space<hbm>>) target_semaphore(%arg16 : memref<!tpu.dma_semaphore, #tpu.memory_space<semaphore_mem>>)
    %dma_wait3A_104 = arith.constant 0 : i32
    %dma_wait3A_105 = tpu.memref_slice %arg4[%add3A_99, %dma_wait3A_104] : memref<8192x768xf32, #tpu.memory_space<hbm>> -> memref<32x768xf32, #tpu.memory_space<hbm>>
    %dma_wait3A_106 = arith.constant 0 : i32
    %dma_wait3A_107 = tpu.memref_slice %arg4[%add3A_99, %dma_wait3A_106] : memref<8192x768xf32, #tpu.memory_space<hbm>> -> memref<32x768xf32, #tpu.memory_space<hbm>>
    tpu.wait_dma2 semaphore(%arg16 : memref<!tpu.dma_semaphore, #tpu.memory_space<semaphore_mem>>) src(%arg8 : memref<32x768xf32, #tpu.memory_space<vmem>>) dst(%dma_wait3A_107 : memref<32x768xf32, #tpu.memory_space<hbm>>)
    %dma_start3A_108 = arith.constant 192 : i32
    %dma_start3A_109 = tpu.memref_slice %arg5[%dma_start3A_108] : memref<256xi32, #tpu.memory_space<vmem>> -> memref<32xi32, #tpu.memory_space<vmem>>
    %dma_start3A_110 = arith.constant 0 : i32
    %dma_start3A_111 = arith.constant 0 : i32
    %dma_start3A_112 = tpu.memref_slice %arg2[%dma_start3A_110, %dma_start3A_111] : memref<21128x768xf32, #tpu.memory_space<hbm>> -> memref<21128x768xf32, #tpu.memory_space<hbm>>
    tpu.enqueue_indirect_dma source(%dma_start3A_112 : memref<21128x768xf32, #tpu.memory_space<hbm>>) target(%arg8 : memref<32x768xf32, #tpu.memory_space<vmem>>) offsets(%dma_start3A_109 : memref<32xi32, #tpu.memory_space<vmem>>) semaphore(%arg12 : memref<!tpu.dma_semaphore, #tpu.memory_space<semaphore_mem>>)
    %dma_wait3A_113 = arith.constant 96 : i32
    %dma_wait3A_114 = tpu.memref_slice %arg5[%dma_wait3A_113] : memref<256xi32, #tpu.memory_space<vmem>> -> memref<32xi32, #tpu.memory_space<vmem>>
    %dma_wait3A_115 = arith.constant 0 : i32
    %dma_wait3A_116 = arith.constant 0 : i32
    %dma_wait3A_117 = tpu.memref_slice %arg2[%dma_wait3A_115, %dma_wait3A_116] : memref<21128x768xf32, #tpu.memory_space<hbm>> -> memref<21128x768xf32, #tpu.memory_space<hbm>>
    tpu.wait_indirect_dma semaphore(%arg13 : memref<!tpu.dma_semaphore, #tpu.memory_space<semaphore_mem>>) src(%dma_wait3A_117 : memref<21128x768xf32, #tpu.memory_space<hbm>>) dst(%arg9 : memref<32x768xf32, #tpu.memory_space<vmem>>)
    %add3A_118 = arith.constant 96 : i32
    %add3A_119 = arith.addi %mul3A_2, %add3A_118 : i32
    %dma_start3A_120 = arith.constant 0 : i32
    %dma_start3A_121 = tpu.memref_slice %arg4[%add3A_119, %dma_start3A_120] : memref<8192x768xf32, #tpu.memory_space<hbm>> -> memref<32x768xf32, #tpu.memory_space<hbm>>
    %dma_start3A_122 = arith.constant 0 : i32
    %dma_start3A_123 = tpu.memref_slice %arg4[%add3A_119, %dma_start3A_122] : memref<8192x768xf32, #tpu.memory_space<hbm>> -> memref<32x768xf32, #tpu.memory_space<hbm>>
    tpu.enqueue_dma source(%arg9 : memref<32x768xf32, #tpu.memory_space<vmem>>) target(%dma_start3A_123 : memref<32x768xf32, #tpu.memory_space<hbm>>) target_semaphore(%arg17 : memref<!tpu.dma_semaphore, #tpu.memory_space<semaphore_mem>>)
    %dma_wait3A_124 = arith.constant 0 : i32
    %dma_wait3A_125 = tpu.memref_slice %arg4[%add3A_119, %dma_wait3A_124] : memref<8192x768xf32, #tpu.memory_space<hbm>> -> memref<32x768xf32, #tpu.memory_space<hbm>>
    %dma_wait3A_126 = arith.constant 0 : i32
    %dma_wait3A_127 = tpu.memref_slice %arg4[%add3A_119, %dma_wait3A_126] : memref<8192x768xf32, #tpu.memory_space<hbm>> -> memref<32x768xf32, #tpu.memory_space<hbm>>
    tpu.wait_dma2 semaphore(%arg17 : memref<!tpu.dma_semaphore, #tpu.memory_space<semaphore_mem>>) src(%arg9 : memref<32x768xf32, #tpu.memory_space<vmem>>) dst(%dma_wait3A_127 : memref<32x768xf32, #tpu.memory_space<hbm>>)
    %dma_start3A_128 = arith.constant 224 : i32
    %dma_start3A_129 = tpu.memref_slice %arg5[%dma_start3A_128] : memref<256xi32, #tpu.memory_space<vmem>> -> memref<32xi32, #tpu.memory_space<vmem>>
    %dma_start3A_130 = arith.constant 0 : i32
    %dma_start3A_131 = arith.constant 0 : i32
    %dma_start3A_132 = tpu.memref_slice %arg2[%dma_start3A_130, %dma_start3A_131] : memref<21128x768xf32, #tpu.memory_space<hbm>> -> memref<21128x768xf32, #tpu.memory_space<hbm>>
    tpu.enqueue_indirect_dma source(%dma_start3A_132 : memref<21128x768xf32, #tpu.memory_space<hbm>>) target(%arg9 : memref<32x768xf32, #tpu.memory_space<vmem>>) offsets(%dma_start3A_129 : memref<32xi32, #tpu.memory_space<vmem>>) semaphore(%arg13 : memref<!tpu.dma_semaphore, #tpu.memory_space<semaphore_mem>>)
    %dma_wait3A_133 = arith.constant 128 : i32
    %dma_wait3A_134 = tpu.memref_slice %arg5[%dma_wait3A_133] : memref<256xi32, #tpu.memory_space<vmem>> -> memref<32xi32, #tpu.memory_space<vmem>>
    %dma_wait3A_135 = arith.constant 0 : i32
    %dma_wait3A_136 = arith.constant 0 : i32
    %dma_wait3A_137 = tpu.memref_slice %arg2[%dma_wait3A_135, %dma_wait3A_136] : memref<21128x768xf32, #tpu.memory_space<hbm>> -> memref<21128x768xf32, #tpu.memory_space<hbm>>
    tpu.wait_indirect_dma semaphore(%arg10 : memref<!tpu.dma_semaphore, #tpu.memory_space<semaphore_mem>>) src(%dma_wait3A_137 : memref<21128x768xf32, #tpu.memory_space<hbm>>) dst(%arg6 : memref<32x768xf32, #tpu.memory_space<vmem>>)
    %add3A_138 = arith.constant 128 : i32
    %add3A_139 = arith.addi %mul3A_2, %add3A_138 : i32
    %dma_start3A_140 = arith.constant 0 : i32
    %dma_start3A_141 = tpu.memref_slice %arg4[%add3A_139, %dma_start3A_140] : memref<8192x768xf32, #tpu.memory_space<hbm>> -> memref<32x768xf32, #tpu.memory_space<hbm>>
    %dma_start3A_142 = arith.constant 0 : i32
    %dma_start3A_143 = tpu.memref_slice %arg4[%add3A_139, %dma_start3A_142] : memref<8192x768xf32, #tpu.memory_space<hbm>> -> memref<32x768xf32, #tpu.memory_space<hbm>>
    tpu.enqueue_dma source(%arg6 : memref<32x768xf32, #tpu.memory_space<vmem>>) target(%dma_start3A_143 : memref<32x768xf32, #tpu.memory_space<hbm>>) target_semaphore(%arg14 : memref<!tpu.dma_semaphore, #tpu.memory_space<semaphore_mem>>)
    %dma_wait3A_144 = arith.constant 160 : i32
    %dma_wait3A_145 = tpu.memref_slice %arg5[%dma_wait3A_144] : memref<256xi32, #tpu.memory_space<vmem>> -> memref<32xi32, #tpu.memory_space<vmem>>
    %dma_wait3A_146 = arith.constant 0 : i32
    %dma_wait3A_147 = arith.constant 0 : i32
    %dma_wait3A_148 = tpu.memref_slice %arg2[%dma_wait3A_146, %dma_wait3A_147] : memref<21128x768xf32, #tpu.memory_space<hbm>> -> memref<21128x768xf32, #tpu.memory_space<hbm>>
    tpu.wait_indirect_dma semaphore(%arg11 : memref<!tpu.dma_semaphore, #tpu.memory_space<semaphore_mem>>) src(%dma_wait3A_148 : memref<21128x768xf32, #tpu.memory_space<hbm>>) dst(%arg7 : memref<32x768xf32, #tpu.memory_space<vmem>>)
    %add3A_149 = arith.constant 160 : i32
    %add3A_150 = arith.addi %mul3A_2, %add3A_149 : i32
    %dma_start3A_151 = arith.constant 0 : i32
    %dma_start3A_152 = tpu.memref_slice %arg4[%add3A_150, %dma_start3A_151] : memref<8192x768xf32, #tpu.memory_space<hbm>> -> memref<32x768xf32, #tpu.memory_space<hbm>>
    %dma_start3A_153 = arith.constant 0 : i32
    %dma_start3A_154 = tpu.memref_slice %arg4[%add3A_150, %dma_start3A_153] : memref<8192x768xf32, #tpu.memory_space<hbm>> -> memref<32x768xf32, #tpu.memory_space<hbm>>
    tpu.enqueue_dma source(%arg7 : memref<32x768xf32, #tpu.memory_space<vmem>>) target(%dma_start3A_154 : memref<32x768xf32, #tpu.memory_space<hbm>>) target_semaphore(%arg15 : memref<!tpu.dma_semaphore, #tpu.memory_space<semaphore_mem>>)
    %dma_wait3A_155 = arith.constant 192 : i32
    %dma_wait3A_156 = tpu.memref_slice %arg5[%dma_wait3A_155] : memref<256xi32, #tpu.memory_space<vmem>> -> memref<32xi32, #tpu.memory_space<vmem>>
    %dma_wait3A_157 = arith.constant 0 : i32
    %dma_wait3A_158 = arith.constant 0 : i32
    %dma_wait3A_159 = tpu.memref_slice %arg2[%dma_wait3A_157, %dma_wait3A_158] : memref<21128x768xf32, #tpu.memory_space<hbm>> -> memref<21128x768xf32, #tpu.memory_space<hbm>>
    tpu.wait_indirect_dma semaphore(%arg12 : memref<!tpu.dma_semaphore, #tpu.memory_space<semaphore_mem>>) src(%dma_wait3A_159 : memref<21128x768xf32, #tpu.memory_space<hbm>>) dst(%arg8 : memref<32x768xf32, #tpu.memory_space<vmem>>)
    %add3A_160 = arith.constant 192 : i32
    %add3A_161 = arith.addi %mul3A_2, %add3A_160 : i32
    %dma_start3A_162 = arith.constant 0 : i32
    %dma_start3A_163 = tpu.memref_slice %arg4[%add3A_161, %dma_start3A_162] : memref<8192x768xf32, #tpu.memory_space<hbm>> -> memref<32x768xf32, #tpu.memory_space<hbm>>
    %dma_start3A_164 = arith.constant 0 : i32
    %dma_start3A_165 = tpu.memref_slice %arg4[%add3A_161, %dma_start3A_164] : memref<8192x768xf32, #tpu.memory_space<hbm>> -> memref<32x768xf32, #tpu.memory_space<hbm>>
    tpu.enqueue_dma source(%arg8 : memref<32x768xf32, #tpu.memory_space<vmem>>) target(%dma_start3A_165 : memref<32x768xf32, #tpu.memory_space<hbm>>) target_semaphore(%arg16 : memref<!tpu.dma_semaphore, #tpu.memory_space<semaphore_mem>>)
    %dma_wait3A_166 = arith.constant 224 : i32
    %dma_wait3A_167 = tpu.memref_slice %arg5[%dma_wait3A_166] : memref<256xi32, #tpu.memory_space<vmem>> -> memref<32xi32, #tpu.memory_space<vmem>>
    %dma_wait3A_168 = arith.constant 0 : i32
    %dma_wait3A_169 = arith.constant 0 : i32
    %dma_wait3A_170 = tpu.memref_slice %arg2[%dma_wait3A_168, %dma_wait3A_169] : memref<21128x768xf32, #tpu.memory_space<hbm>> -> memref<21128x768xf32, #tpu.memory_space<hbm>>
    tpu.wait_indirect_dma semaphore(%arg13 : memref<!tpu.dma_semaphore, #tpu.memory_space<semaphore_mem>>) src(%dma_wait3A_170 : memref<21128x768xf32, #tpu.memory_space<hbm>>) dst(%arg9 : memref<32x768xf32, #tpu.memory_space<vmem>>)
    %add3A_171 = arith.constant 224 : i32
    %add3A_172 = arith.addi %mul3A_2, %add3A_171 : i32
    %dma_start3A_173 = arith.constant 0 : i32
    %dma_start3A_174 = tpu.memref_slice %arg4[%add3A_172, %dma_start3A_173] : memref<8192x768xf32, #tpu.memory_space<hbm>> -> memref<32x768xf32, #tpu.memory_space<hbm>>
    %dma_start3A_175 = arith.constant 0 : i32
    %dma_start3A_176 = tpu.memref_slice %arg4[%add3A_172, %dma_start3A_175] : memref<8192x768xf32, #tpu.memory_space<hbm>> -> memref<32x768xf32, #tpu.memory_space<hbm>>
    tpu.enqueue_dma source(%arg9 : memref<32x768xf32, #tpu.memory_space<vmem>>) target(%dma_start3A_176 : memref<32x768xf32, #tpu.memory_space<hbm>>) target_semaphore(%arg17 : memref<!tpu.dma_semaphore, #tpu.memory_space<semaphore_mem>>)
    %dma_wait3A_177 = arith.constant 0 : i32
    %dma_wait3A_178 = tpu.memref_slice %arg4[%add3A_139, %dma_wait3A_177] : memref<8192x768xf32, #tpu.memory_space<hbm>> -> memref<32x768xf32, #tpu.memory_space<hbm>>
    %dma_wait3A_179 = arith.constant 0 : i32
    %dma_wait3A_180 = tpu.memref_slice %arg4[%add3A_139, %dma_wait3A_179] : memref<8192x768xf32, #tpu.memory_space<hbm>> -> memref<32x768xf32, #tpu.memory_space<hbm>>
    tpu.wait_dma2 semaphore(%arg14 : memref<!tpu.dma_semaphore, #tpu.memory_space<semaphore_mem>>) src(%arg6 : memref<32x768xf32, #tpu.memory_space<vmem>>) dst(%dma_wait3A_180 : memref<32x768xf32, #tpu.memory_space<hbm>>)
    %dma_wait3A_181 = arith.constant 0 : i32
    %dma_wait3A_182 = tpu.memref_slice %arg4[%add3A_150, %dma_wait3A_181] : memref<8192x768xf32, #tpu.memory_space<hbm>> -> memref<32x768xf32, #tpu.memory_space<hbm>>
    %dma_wait3A_183 = arith.constant 0 : i32
    %dma_wait3A_184 = tpu.memref_slice %arg4[%add3A_150, %dma_wait3A_183] : memref<8192x768xf32, #tpu.memory_space<hbm>> -> memref<32x768xf32, #tpu.memory_space<hbm>>
    tpu.wait_dma2 semaphore(%arg15 : memref<!tpu.dma_semaphore, #tpu.memory_space<semaphore_mem>>) src(%arg7 : memref<32x768xf32, #tpu.memory_space<vmem>>) dst(%dma_wait3A_184 : memref<32x768xf32, #tpu.memory_space<hbm>>)
    %dma_wait3A_185 = arith.constant 0 : i32
    %dma_wait3A_186 = tpu.memref_slice %arg4[%add3A_161, %dma_wait3A_185] : memref<8192x768xf32, #tpu.memory_space<hbm>> -> memref<32x768xf32, #tpu.memory_space<hbm>>
    %dma_wait3A_187 = arith.constant 0 : i32
    %dma_wait3A_188 = tpu.memref_slice %arg4[%add3A_161, %dma_wait3A_187] : memref<8192x768xf32, #tpu.memory_space<hbm>> -> memref<32x768xf32, #tpu.memory_space<hbm>>
    tpu.wait_dma2 semaphore(%arg16 : memref<!tpu.dma_semaphore, #tpu.memory_space<semaphore_mem>>) src(%arg8 : memref<32x768xf32, #tpu.memory_space<vmem>>) dst(%dma_wait3A_188 : memref<32x768xf32, #tpu.memory_space<hbm>>)
    %dma_wait3A_189 = arith.constant 0 : i32
    %dma_wait3A_190 = tpu.memref_slice %arg4[%add3A_172, %dma_wait3A_189] : memref<8192x768xf32, #tpu.memory_space<hbm>> -> memref<32x768xf32, #tpu.memory_space<hbm>>
    %dma_wait3A_191 = arith.constant 0 : i32
    %dma_wait3A_192 = tpu.memref_slice %arg4[%add3A_172, %dma_wait3A_191] : memref<8192x768xf32, #tpu.memory_space<hbm>> -> memref<32x768xf32, #tpu.memory_space<hbm>>
    tpu.wait_dma2 semaphore(%arg17 : memref<!tpu.dma_semaphore, #tpu.memory_space<semaphore_mem>>) src(%arg9 : memref<32x768xf32, #tpu.memory_space<vmem>>) dst(%dma_wait3A_192 : memref<32x768xf32, #tpu.memory_space<hbm>>)
    return
  }
}

module attributes {stable_mosaic.version = 14 : i64} {
  func.func @_ln_body(%arg0: i32, %arg1: i32, %arg2: memref<2048x768xf32, #tpu.memory_space<vmem>>, %arg3: memref<2048x768xf32, #tpu.memory_space<vmem>>, %arg4: memref<2048x1xf32, #tpu.memory_space<vmem>>, %arg5: memref<2x768xf32, #tpu.memory_space<vmem>>, %arg6: memref<1x768xf32, #tpu.memory_space<vmem>>, %arg7: memref<1x768xf32, #tpu.memory_space<vmem>>, %arg8: memref<2048x768xf32, #tpu.memory_space<vmem>>) attributes {dimension_semantics = [#tpu.dimension_semantics<arbitrary>, #tpu.dimension_semantics<arbitrary>], iteration_bounds = array<i64: 1, 4>, scalar_prefetch = 0 : i64, scratch_operands = 0 : i64, tpu.core_type = #tpu.core_type<tc>, window_params = [{transform_indices = @transform_0, window_bounds = array<i64: 2048, 768>}, {transform_indices = @transform_1, window_bounds = array<i64: 2048, 768>}, {transform_indices = @transform_2, window_bounds = array<i64: 2048, 1>}, {pipeline_mode = #tpu.pipeline_mode<synchronous>, transform_indices = @transform_3, window_bounds = array<i64: 2, 768>}, {pipeline_mode = #tpu.pipeline_mode<synchronous>, transform_indices = @transform_4, window_bounds = array<i64: 1, 768>}, {pipeline_mode = #tpu.pipeline_mode<synchronous>, transform_indices = @transform_5, window_bounds = array<i64: 1, 768>}, {transform_indices = @transform_6, window_bounds = array<i64: 2048, 768>}]} {
    %get3A = arith.constant 1 : index
    %get3A_0 = arith.constant 0 : index
    %get3A_1 = vector.load %arg5[%get3A, %get3A_0] : memref<2x768xf32, #tpu.memory_space<vmem>>, vector<1x768xf32>
    %get3A_2 = arith.constant 0 : index
    %get3A_3 = arith.constant 0 : index
    %get3A_4 = vector.load %arg5[%get3A_2, %get3A_3] : memref<2x768xf32, #tpu.memory_space<vmem>>, vector<1x768xf32>
    %sub3A = arith.subf %get3A_1, %get3A_4 : vector<1x768xf32>
    %get3A_5 = arith.constant 0 : index
    %get3A_6 = arith.constant 0 : index
    %get3A_7 = vector.load %arg2[%get3A_5, %get3A_6] : memref<2048x768xf32, #tpu.memory_space<vmem>>, vector<2048x768xf32>
    %get3A_8 = arith.constant 0 : index
    %get3A_9 = arith.constant 0 : index
    %get3A_10 = vector.load %arg3[%get3A_8, %get3A_9] : memref<2048x768xf32, #tpu.memory_space<vmem>>, vector<2048x768xf32>
    %add3A = arith.addf %get3A_7, %get3A_10 : vector<2048x768xf32>
    %get3A_11 = arith.constant 0 : index
    %get3A_12 = arith.constant 0 : index
    %get3A_13 = vector.load %arg4[%get3A_11, %get3A_12] : memref<2048x1xf32, #tpu.memory_space<vmem>>, vector<2048x1xf32>
    %mul3A = vector.broadcast %get3A_13 : vector<2048x1xf32> to vector<2048x768xf32>
    %mul3A_14 = vector.broadcast %sub3A : vector<1x768xf32> to vector<2048x768xf32>
    %mul3A_15 = arith.mulf %mul3A, %mul3A_14 : vector<2048x768xf32>
    %add3A_16 = arith.addf %add3A, %mul3A_15 : vector<2048x768xf32>
    %get3A_17 = arith.constant 0 : index
    %get3A_18 = arith.constant 0 : index
    %get3A_19 = vector.load %arg5[%get3A_17, %get3A_18] : memref<2x768xf32, #tpu.memory_space<vmem>>, vector<1x768xf32>
    %add3A_20 = vector.broadcast %get3A_19 : vector<1x768xf32> to vector<2048x768xf32>
    %add3A_21 = arith.addf %add3A_16, %add3A_20 : vector<2048x768xf32>
    %reduce_sum3A = arith.constant dense<0.000000e+00> : vector<2048xf32>
    %reduce_sum3A_22 = vector.multi_reduction <add>, %add3A_21, %reduce_sum3A [1] : vector<2048x768xf32> to vector<2048xf32>
    %broadcast_in_dim3A = vector.shape_cast %reduce_sum3A_22 : vector<2048xf32> to vector<2048x1xf32>
    %div3A = arith.constant 7.680000e+02 : f32
    %div3A_23 = vector.broadcast %div3A : f32 to vector<2048x1xf32>
    %div3A_24 = arith.divf %broadcast_in_dim3A, %div3A_23 : vector<2048x1xf32>
    %sub3A_25 = vector.broadcast %div3A_24 : vector<2048x1xf32> to vector<2048x768xf32>
    %sub3A_26 = arith.subf %add3A_21, %sub3A_25 : vector<2048x768xf32>
    %mul3A_27 = arith.mulf %sub3A_26, %sub3A_26 : vector<2048x768xf32>
    %reduce_sum3A_28 = arith.constant dense<0.000000e+00> : vector<2048xf32>
    %reduce_sum3A_29 = vector.multi_reduction <add>, %mul3A_27, %reduce_sum3A_28 [1] : vector<2048x768xf32> to vector<2048xf32>
    %broadcast_in_dim3A_30 = vector.shape_cast %reduce_sum3A_29 : vector<2048xf32> to vector<2048x1xf32>
    %div3A_31 = arith.constant 7.680000e+02 : f32
    %div3A_32 = vector.broadcast %div3A_31 : f32 to vector<2048x1xf32>
    %div3A_33 = arith.divf %broadcast_in_dim3A_30, %div3A_32 : vector<2048x1xf32>
    %add3A_34 = arith.constant 9.99999996E-13 : f32
    %add3A_35 = vector.broadcast %add3A_34 : f32 to vector<2048x1xf32>
    %add3A_36 = arith.addf %div3A_33, %add3A_35 : vector<2048x1xf32>
    %rsqrt3A = math.rsqrt %add3A_36 : vector<2048x1xf32>
    %mul3A_37 = vector.broadcast %rsqrt3A : vector<2048x1xf32> to vector<2048x768xf32>
    %mul3A_38 = arith.mulf %sub3A_26, %mul3A_37 : vector<2048x768xf32>
    %get3A_39 = arith.constant 0 : index
    %get3A_40 = arith.constant 0 : index
    %get3A_41 = vector.load %arg6[%get3A_39, %get3A_40] : memref<1x768xf32, #tpu.memory_space<vmem>>, vector<1x768xf32>
    %mul3A_42 = vector.broadcast %get3A_41 : vector<1x768xf32> to vector<2048x768xf32>
    %mul3A_43 = arith.mulf %mul3A_38, %mul3A_42 : vector<2048x768xf32>
    %get3A_44 = arith.constant 0 : index
    %get3A_45 = arith.constant 0 : index
    %get3A_46 = vector.load %arg7[%get3A_44, %get3A_45] : memref<1x768xf32, #tpu.memory_space<vmem>>, vector<1x768xf32>
    %add3A_47 = vector.broadcast %get3A_46 : vector<1x768xf32> to vector<2048x768xf32>
    %add3A_48 = arith.addf %mul3A_43, %add3A_47 : vector<2048x768xf32>
    %swap3A = arith.constant 0 : index
    %swap3A_49 = arith.constant 0 : index
    %swap3A_50 = vector.load %arg8[%swap3A, %swap3A_49] : memref<2048x768xf32, #tpu.memory_space<vmem>>, vector<2048x768xf32>
    tpu.vector_store %arg8[%swap3A, %swap3A_49], %add3A_48 {strides = array<i32>} : memref<2048x768xf32, #tpu.memory_space<vmem>>, vector<2048x768xf32>,
    return
  }
  func.func @transform_0(%arg0: i32, %arg1: i32) -> (i32, i32) {
    %mul3A = arith.constant 1 : i32
    %mul3A_0 = arith.muli %arg1, %mul3A : i32
    %add3A = arith.addi %mul3A_0, %arg0 : i32
    %c0_i32 = arith.constant 0 : i32
    %c0_i32_1 = arith.constant 0 : i32
    return %add3A, %c0_i32 : i32, i32
  }
  func.func @transform_1(%arg0: i32, %arg1: i32) -> (i32, i32) {
    %c0_i32 = arith.constant 0 : i32
    %c0_i32_0 = arith.constant 0 : i32
    return %arg0, %c0_i32 : i32, i32
  }
  func.func @transform_2(%arg0: i32, %arg1: i32) -> (i32, i32) {
    %mul3A = arith.constant 1 : i32
    %mul3A_0 = arith.muli %arg1, %mul3A : i32
    %add3A = arith.addi %mul3A_0, %arg0 : i32
    %c0_i32 = arith.constant 0 : i32
    %c0_i32_1 = arith.constant 0 : i32
    return %add3A, %c0_i32 : i32, i32
  }
  func.func @transform_3(%arg0: i32, %arg1: i32) -> (i32, i32) {
    %c0_i32 = arith.constant 0 : i32
    %c0_i32_0 = arith.constant 0 : i32
    %c0_i32_1 = arith.constant 0 : i32
    return %c0_i32, %c0_i32_0 : i32, i32
  }
  func.func @transform_4(%arg0: i32, %arg1: i32) -> (i32, i32) {
    %c0_i32 = arith.constant 0 : i32
    %c0_i32_0 = arith.constant 0 : i32
    %c0_i32_1 = arith.constant 0 : i32
    return %c0_i32, %c0_i32_0 : i32, i32
  }
  func.func @transform_5(%arg0: i32, %arg1: i32) -> (i32, i32) {
    %c0_i32 = arith.constant 0 : i32
    %c0_i32_0 = arith.constant 0 : i32
    %c0_i32_1 = arith.constant 0 : i32
    return %c0_i32, %c0_i32_0 : i32, i32
  }
  func.func @transform_6(%arg0: i32, %arg1: i32) -> (i32, i32) {
    %mul3A = arith.constant 1 : i32
    %mul3A_0 = arith.muli %arg1, %mul3A : i32
    %add3A = arith.addi %mul3A_0, %arg0 : i32
    %c0_i32 = arith.constant 0 : i32
    %c0_i32_1 = arith.constant 0 : i32
    return %add3A, %c0_i32 : i32, i32
  }
}

</mosaic_0001>

<sc_bundles>
// kernel: kernel.4.cloned.1.call-start
scs
__scs_entry_jumppad:
0x0: {  	(pc) =	sbr.rel $0x88, $3  }
0x1: {  	(tag) =	ssettag $0x0;
	lr =	simm.s32 $0x1  }
0x2: {  	[smem:$0x3F9A] =	sst lr;
	_ =	strace $0xD0000000  }
0x3: {  	_ = 	snop  }
0x4: {  	_ = 	snop  }
0x5: {  	_ = 	snop  }
0x6: {  	_ = 	snop  }
0x7: {  	_ = 	snop  }
__scs_overlays_trampoline_lowered:
0x8: {  	[smem:$0x3FA9] =	sst s0  }
0x9: {  	[smem:$0x3FAA] =	sst s1  }
0xa: {  	[smem:$0x3FAB] =	sst s2  }
0xb: {  	[smem:$0x3FAC] =	sst s3  }
0xc: {  	[smem:$0x3FAD] =	sst s4  }
0xd: {  	[smem:$0x3FAE] =	sst s5  }
0xe: {  	[smem:$0x3FAF] =	sst s6  }
0xf: {  	[smem:$0x3FB0] =	sst s7  }
0x10: {  	[smem:$0x3FB1] =	sst s8  }
0x11: {  	[smem:$0x3FB2] =	sst s9;
	s0 =	simm.s32 @!p0 $0x0  }
0x12: {  	s1 =	sld [smem:$0x3F98];
	s0 =	simm.s32 @p0 $0x1  }
0x13: {  	[smem:$0x3FB3] =	sst s0;
	s0 =	simm.s32 @!p1 $0x0  }
0x14: {  	s2 =	sld [smem:$0x3F97];
	s0 =	simm.s32 @p1 $0x1  }
0x15: {  	[smem:$0x3FB4] =	sst s0;
	s0 =	simm.s32 @!p2 $0x0  }
0x16: {  	s3 =	sld [smem:$0x3FDB];
	s0 =	simm.s32 @p2 $0x1  }
0x17: {  	s4 =	simm.s32 $0x1BF5;
	[smem:$0x3FB6] =	sst s0  }
0x18: {  	s0 =	sld [smem:$0x3F99];
	_ =	swait.ge [sflag:s4], $0x0  }
0x19: {  	s7 =	sld [smem:$0x3F9A]  }
0x1a: {  	s8 =	sadd.s32 $0xFFFFE003, lr  }
0x1b: {  	s9 =	sadd.s32 $0xFFFFFEF7, lr;
	s5 =	simm.s32 $0xFFFFFFFF;
	p2 =	slt.u32 s8, $0xFFFFF086  }
0x1c: {  	p1 =	slt.u32 s9, $0xF7A;
	s5 =	simm.s32 @!p2 $0x0  }
0x1d: {  	s5 =	simm.s32 @p1 $0x1;
	p0 =	seq.s32 s7, s2  }
0x1e: {  	s7 =	smul.u32 @!p0 $0xF7A, s2;
	p2 =	seq.s32 @!p0 s5, $0x0  }
0x1f: {  	s9 =	smul.u32 $0xF7A, s1;
	s8 =	simm.s32 @!p0 $0x1BF5;
	p2 =	por !p2, p0  }
0x20: {  	[sflag:s8] =	ssyncset.s32 @!p0 $0xFFFFF086;
	s6 =	sadd.s32 @!p0 s3, s7;
	s7 =	simm.s32 @!p0 $0x108  }
0x21: {  	s3 =	sadd.s32 s3, s9;
	s6 =	sadd.s32 @!p0 $0x88, s6;
	s7 =	simm.s32 @p2 $0x1082  }
0x22: {  	[simem:s7], [sflag:s8] =	dma.local @!p0 [hbm:s6], $0xF7A  }
0x23: {  	s9 =	sor.u32 $0xD0000000, s2;
	s6 =	simm.s32 $0x108;
	_ =	swait.ge @!p0 [sflag:s8], $0x0  }
0x24: {  	s3 =	sadd.s32 $0x88, s3;
	s6 =	simm.s32 @!p1 $0x1082;
	[sflag:s4] =	ssyncset.s32 $0xFFFFF086  }
0x25: {  	[simem:s6], [sflag:s4] =	dma.local [hbm:s3], $0xF7A  }
0x26: {  	[smem:$0x3F9A] =	sst s1;
	(tag) =	ssettag s2;
	_ =	strace s9  }
0x27: {  	s1 =	sld [smem:$0x3FAA]  }
0x28: {  	s2 =	sld [smem:$0x3FAB]  }
0x29: {  	s4 =	sld [smem:$0x3FAD]  }
0x2a: {  	p0 =	seq.s32 s5, $0x0;
	s5 =	sld [smem:$0x3FAE]  }
0x2b: {  	s6 =	sld [smem:$0x3FAF]  }
0x2c: {  	s7 =	sld [smem:$0x3FB0]  }
0x2d: {  	s3 =	simm.s32 $0x108;
	s8 =	sld [smem:$0x3FB1]  }
0x2e: {  	s3 =	simm.s32 @!p0 $0x1082;
	s9 =	sld [smem:$0x3FB2]  }
0x2f: {  	lr =	sadd.s32 s0, s3;
	s0 =	sld [smem:$0x3FA9]  }
0x30: {  	s3 =	sld [smem:$0x3FAC]  }
0x31: {  	[smem:$0x3FB5] =	sst s10  }
0x32: {  	s10 =	sld [smem:$0x3FB3];
	_ =	sdelay $0x3  }
0x33: {  	p0 =	seq.s32 s10, $0x1;
	s10 =	sld [smem:$0x3FB5];
	_ =	sdelay $0x3  }
0x34: {  	[smem:$0x3FB5] =	sst s10  }
0x35: {  	s10 =	sld [smem:$0x3FB4];
	_ =	sdelay $0x3  }
0x36: {  	p1 =	seq.s32 s10, $0x1;
	s10 =	sld [smem:$0x3FB5];
	_ =	sdelay $0x3  }
0x37: {  	[smem:$0x3FB5] =	sst s10  }
0x38: {  	s10 =	sld [smem:$0x3FB6]  }
0x39: {  	_ = 	snop;
	(pc) =	sbr.ind lr, $3  }
0x3a: {  	_ = 	snop  }
0x3b: {  	_ = 	snop  }
0x3c: {  	p2 =	seq.s32 s10, $0x1;
	s10 =	sld [smem:$0x3FB5]  }
0x3d: {  	_ =	shalt  }
0x3e: {  	_ =	shalt  }
0x3f: {  	_ =	shalt  }
0x40: {  	_ =	shalt  }
0x41: {  	_ =	shalt  }
0x42: {  	_ =	shalt  }
0x43: {  	_ =	shalt  }
0x44: {  	_ =	shalt  }
0x45: {  	_ =	shalt  }
0x46: {  	_ =	shalt  }
0x47: {  	_ =	shalt  }
0x48: {  	_ =	shalt  }
0x49: {  	_ =	shalt  }
0x4a: {  	_ =	shalt  }
0x4b: {  	_ =	shalt  }
0x4c: {  	_ =	shalt  }
0x4d: {  	_ =	shalt  }
0x4e: {  	_ =	shalt  }
0x4f: {  	_ =	shalt  }
0x50: {  	_ =	shalt  }
0x51: {  	_ =	shalt  }
0x52: {  	_ =	shalt  }
0x53: {  	_ =	shalt  }
0x54: {  	_ =	shalt  }
0x55: {  	_ =	shalt  }
0x56: {  	_ =	shalt  }
0x57: {  	_ =	shalt  }
0x58: {  	_ =	shalt  }
0x59: {  	_ =	shalt  }
0x5a: {  	_ =	shalt  }
0x5b: {  	_ =	shalt  }
0x5c: {  	_ =	shalt  }
0x5d: {  	_ =	shalt  }
0x5e: {  	_ =	shalt  }
0x5f: {  	_ =	shalt  }
0x60: {  	_ =	shalt  }
0x61: {  	_ =	shalt  }
0x62: {  	_ =	shalt  }
0x63: {  	_ =	shalt  }
0x64: {  	_ =	shalt  }
0x65: {  	_ =	shalt  }
0x66: {  	_ =	shalt  }
0x67: {  	_ =	shalt  }
0x68: {  	_ =	shalt  }
0x69: {  	_ =	shalt  }
0x6a: {  	_ =	shalt  }
0x6b: {  	_ =	shalt  }
0x6c: {  	_ =	shalt  }
0x6d: {  	_ =	shalt  }
0x6e: {  	_ =	shalt  }
0x6f: {  	_ =	shalt  }
0x70: {  	_ =	shalt  }
0x71: {  	_ =	shalt  }
0x72: {  	_ =	shalt  }
0x73: {  	_ =	shalt  }
0x74: {  	_ =	shalt  }
0x75: {  	_ =	shalt  }
0x76: {  	_ =	shalt  }
0x77: {  	_ =	shalt  }
0x78: {  	_ =	shalt  }
0x79: {  	_ =	shalt  }
0x7a: {  	_ =	shalt  }
0x7b: {  	_ =	shalt  }
0x7c: {  	_ =	shalt  }
0x7d: {  	_ =	shalt  }
0x7e: {  	_ =	shalt  }
0x7f: {  	_ =	shalt  }
0x80: {  	_ =	shalt  }
0x81: {  	_ =	shalt  }
0x82: {  	_ =	shalt  }
0x83: {  	_ =	shalt  }
0x84: {  	_ =	shalt  }
0x85: {  	_ =	shalt  }
0x86: {  	_ =	shalt  }
0x87: {  	_ =	shalt  }
.Lfunc_end0:
.L_simem_size_0:
called_computation_lowered:
.L_overlay_start_0:
0x88: {  	s2 =	sld [smem:$0x3FD9]  }
0x89: {  	s3 =	sld [smem:$0x3FFE];
	_ =	sdelay $0x1  }
0x8a: {  	s1 =	srdreg.scid  }
0x8b: {  	s0 =	sand.u32 $0x1, s1  }
0x8c: {  	s17 =	sshll.u32 s0, $0xA;
	s2 =	sadd.s32 s3, s2  }
0x8d: {  	s2 =	sadd.s32 s2, s17  }
0x8e: {  	[smem:$0x3FC1] =	sst s2  }
0x8f: {  	_ = 	snop  }
0x90: {  	s2 =	sld [smem:$0x3FC9]  }
0x91: {  	s18 =	sld [smem:$0x3FC7];
	(tm) =	ssettm $0x1  }
0x92: {  	s4 =	sld [smem:$0x3FFB];
	_ =	sdelay $0x3  }
0x93: {  	_ =	strace s4  }
0x94: {  	s4 =	sld [smem:$0x3FFC];
	_ =	sdelay $0x3  }
0x95: {  	_ =	strace s4  }
0x96: {  	s4 =	sld [smem:$0x3FFD];
	_ =	sdelay $0x3  }
0x97: {  	_ =	strace s4  }
0x98: {  	_ =	strace $0x8FFFFFFF  }
0x99: {  	s19 =	sld [smem:$0x3FDB];
	_ =	sdelay $0x1  }
0x9a: {  	s5 =	simm.s32 $_scs_section_size  }
0x9b: {  	s6 =	simm.s32 $_size__tile_overlayer_lowered;
	s7 =	simm.s32 $_tile_overlayer_lowered  }
0x9c: {  	s22 =	simm.s32 $0x1BFF;
	s21 =	sshll.u32 s7, $0x1;
	s4 =	sadd.s32 s5, s19  }
0x9d: {  	s8 =	simm.s32 $0x0;
	s20 =	sshll.u32 s6, $0x1;
	s6 =	sadd.s32 s21, s4  }
0x9e: {  	[timem:s8], [sflag:s22] =	dma.local [hbm:s6], s20  }
0x9f: {  	_ =	swait.ge [sflag:s22], s20  }
0xa0: {  	s5 =	ssub.s32 $0x0, s20;
	[sflag:s22] =	ssyncset.done $0x0  }
0xa1: {  	[sflag:s22] =	ssyncadd.s32 s5;
	_ =	sdelay $0x1  }
0xa2: {  	s23 =	simm.s32 $0x1B8B  }
0xa3: {  	_ =	swait.ge [sflag:s23], $0x1  }
0xa4: {  	[sflag:s23] =	ssyncset.done $0x0  }
0xa5: {  	s25 =	simm.s32 $0x1B8E;
	s24 =	sld [smem:$0x3FFE];
	[sflag:s23] =	ssyncadd.s32 $0xFFFFFFFF  }
0xa6: {  	s26 =	simm.s32 $execute0_lowered;
	[smem:$0x3FD2] =	sst s25  }
0xa7: {  	s6 =	sshll.u32 s26, $0x1;
	_ =	strace $0x80000046;
	[dreg:$0x1] =	wrdreg $0xFFFFFFFF  }
0xa8: {  	s28 =	simm.s32 $_size_execute0_lowered;
	s4 =	sadd.s32 s4, s6;
	[dreg:$0x0] =	wrdreg $0x0  }
0xa9: {  	s6 =	sshll.u32 s28, $0x1;
	[dreg:$0x2] =	wrdreg s4  }
0xaa: {  	[dreg:$0x3] =	wrdreg s6  }
0xab: {  	[dreg:$0x4] =	wrdreg $0xC0  }
0xac: {  	_ =	task [dreg:s8], $0x5FFFF  }
0xad: {  	[dreg:$0x1] =	wrdreg $0xFFFFFFFF  }
0xae: {  	[dreg:$0x0] =	wrdreg $0x60  }
0xaf: {  	[dreg:$0x2] =	wrdreg s18  }
0xb0: {  	[dreg:$0x3] =	wrdreg s2  }
0xb1: {  	[dreg:$0x4] =	wrdreg s24  }
0xb2: {  	[dreg:$0x5] =	wrdreg $0x9  }
0xb3: {  	_ =	task.clear_ibuf [dreg:s8], $0x6FFFF;
	_ =	strace $0x90000046  }
0xb4: {  	s29 =	simm.s32 $0x9;
	_ =	strace $0x80000048  }
0xb5: {  	_ =	swait.ge [sflag:s29], $0x1  }
0xb6: {  	[sflag:s29] =	ssyncadd.s32 $0xFFFFFFFF  }
0xb7: {  	_ =	strace $0x90000048  }
0xb8: {  	_ =	sfence  }
0xb9: {  	s30 =	sld [smem:$0x0];
	_ =	sdelay $0x2  }
0xba: {  	s31 =	sshll.u32 s1, $0xD;
	s1 =	sshrl.u32 s1, $0x2  }
0xbb: {  	s3 =	sand.u32 $0x4000, s31;
	s1 =	sadd.s32 s1, s30  }
0xbc: {  	s0 =	sor.u32 s3, s0;
	s1 =	sshll.u32 s1, $0x11  }
0xbd: {  	s0 =	sor.u32 s1, s0  }
0xbe: {  	s0 =	sadd.s32 $0x8F2B, s0  }
0xbf: {  	[sflag:s0] =	ssyncadd.remote.s32 $0x1  }
0xc0: {  	_ =	sfence.sel $0xFFFF  }
0xc1: {  	[dreg:$0x0] =	wrdreg $0xFFFFFFFF;
	(pc) =	sbr.abs _section_cstart, $3  }
0xc2: {  	[dreg:$0x1] =	wrdreg $0xFFFFFFFF  }
0xc3: {  	_ =	task.clear_ibuf [dreg:s8], $0x2FFFF;
	_ =	strace $0x9FFFFFFF  }
0xc4: {  	(tm) =	ssettm $0x7FFFFFFF  }
0xc5: {  	_ =	shalt  }
tec
execute0_lowered:
.L_overlay_start_1:
0x0: {  	(tag) =	ssettag $0x1  }
0x1: {  	s1 =	rddreg [dreg:$0x0]  }
0x2: {  	s0 =	rddreg [dreg:$0x1]  }
0x3: {  	s2 =	rddreg [dreg:$0x2];
	s3 =	simm.s32 $0x0;
	s4 =	srdreg.scid  }
0x4: {  	s6 =	stileid.u32;
	s25 =	simm.s32 $0x80;
	s26 =	simm.s32 $0x200  }
0x5: {  	s28 =	simm.s32 $0x3100;
	s29 =	simm.s32 $0x3900;
	s30 =	simm.s32 $0x4100  }
0x6: {  	s31 =	simm.s32 $0x4900;
	[smem:$0x7FF] =	sst s3;
	s4 =	sand.u32 $0x1, s4  }
0x7: {  	s5 =	sshll.u32 s6, $0x1;
	s2 =	sadd.s32 $0xE00, s2;
	s6 =	sshll.u32 s6, $0x2  }
0x8: {  	s5 =	sor.u32 s4, s5;
	_ =	strace $0x80000047;
	[dreg:$0xc] =	wrdreg s25  }
0x9: {  	s6 =	sand.u32 $0x30, s6;
	s4 =	ssub.s32 $0x2, s4;
	[dreg:$0xd] =	wrdreg s26  }
0xa: {  	s25 =	simm.s32 $0x2100;
	s26 =	simm.s32 $0x2900;
	s8 =	smul.u32 $0x6000, s5  }
0xb: {  	s7 =	sshll.u32 s5, $0x7;
	s0 =	sadd.s32 s0, s6;
	s5 =	smul.u32 $0x30000, s5  }
0xc: {  	s22 =	sshrl.u32 s4, $0x1;
	s6 =	sadd.s32 $0x200, s1;
	s7 =	sand.u32 $0x380, s7  }
0xd: {  	s24 =	ssub.s32 s4, s22;
	s22 =	simm.s32 $0x8100;
	s0 =	sadd.s32 s7, s0  }
0xe: {  	s4 =	simm.s32 $0x12100;
	s15 =	sadd.s32 s2, s8;
	[dreg:$0x4] =	wrdreg s0  }
0xf: {  	s5 =	sshrl.u32 s5, $0x3;
	s16 =	sadd.s32 $0xC00, s15;
	[dreg:$0xe] =	wrdreg s15  }
0x10: {  	s17 =	sadd.s32 $0x1800, s15;
	s2 =	sadd.s32 s2, s5;
	[dreg:$0x5] =	wrdreg s16  }
0x11: {  	s10 =	smax.u32 s24, $0x1;
	[dreg:$0x6] =	wrdreg s17;
	s18 =	sadd.s32 $0x2400, s2  }
0x12: {  	s24 =	simm.s32 $0x1900;
	s19 =	sadd.s32 $0x3000, s2;
	[dreg:$0x7] =	wrdreg s18  }
0x13: {  	s5 =	sadd.s32 $0x100, s1;
	s20 =	sadd.s32 $0x3C00, s2;
	[dreg:$0x8] =	wrdreg s19  }
0x14: {  	v2 =	vlaneseq.u32;
	s21 =	sadd.s32 $0x4800, s2;
	s23 =	sadd.s32 $0x5400, s2;
	[dreg:$0x9] =	wrdreg s20  }
0x15: {  	vm0 =	vmmov $0xffff;
	v1 =	vshrl.u32 v2, $0x3;
	s16 =	simm.s32 $0xB900;
	s17 =	simm.s32 $0xC100;
	[dreg:$0xa] =	wrdreg s21  }
0x16: {  	v0 =	vand.u32 $0x7, v2;
	v2 =	vor.u32 $0x8, v2;
	v1 =	vmul.u32 $0x8, v1;
	s2 =	simm.s32 $0x5;
	[dreg:$0xb] =	wrdreg s23;
	s21 =	simm.s32 $0x9900  }
.LBB2_1:
0x17: {  	s19 =	rddreg [dreg:$0x4]  }
0x18: {  	s20 =	rddreg [dreg:$0xc]  }
0x19: {  	s23 =	rddreg [dreg:$0xd];
	s0 =	simm.s32 $0x9  }
0x1a: {  	[tilespmem:s3], [sflag:$0x9] =	stream.strided.gather [hbm4b:s19+s20], $0x100, s23, s20, $0x38;
	[tilespmem:$0x18100] =	vst v63  }
0x1b: {  	_ =	swait.ge [sflag:s0], $0x100  }
0x1c: {  	[sflag:s0] =	ssyncset.done $0x0  }
0x1d: {  	[sflag:s0] =	ssyncadd.s32 $0xFFFFFF00  }
0x1e: {  	v3 =	vld [tilespmem:$0x0];
	_ =	sdelay $0x4  }
0x1f: {  	v4 =	vshrl.u32 v3, $0x3  }
0x20: {  	v4 =	vmul.u32 $0x30, v4  }
0x21: {  	v3 =	vand.u32 $0x7, v3  }
0x22: {  	v3 =	vor.u32 v3, v4  }
0x23: {  	v4 =	vperm.xlane v3, v0;
	_ =	sdelay $0x1  }
0x24: {  	v4 =	vadd.s32 v1, v4;
	_ =	sdelay $0x3  }
0x25: {  	s13 =	simm.s32 $0x100;
	v3 =	vperm.xlane v3, v2  }
0x26: {  	[tilespmem:s13], [sflag:$0x1] =	stream.indirect_vreg.gather [hbm4b:s1+s3], $0x80, v4, vm0, $0xb8;
	[tilespmem:$0x18100] =	vst v63  }
0x27: {  	s20 =	simm.s32 $0x900;
	v3 =	vadd.s32 v1, v3  }
0x28: {  	[tilespmem:s20], [sflag:$0x1] =	stream.indirect_vreg.gather [hbm4b:s5+s3], $0x80, v4, vm0, $0xb8;
	[tilespmem:$0x18100] =	vst v63  }
0x29: {  	s23 =	simm.s32 $0x1100  }
0x2a: {  	[tilespmem:s23], [sflag:$0x1] =	stream.indirect_vreg.gather [hbm4b:s6+s3], $0x80, v4, vm0, $0xb8;
	[tilespmem:$0x18100] =	vst v63  }
0x2b: {  	_ = 	snop  }
0x2c: {  	[tilespmem:s24], [sflag:$0x1] =	stream.indirect_vreg.gather [hbm4b:s1+s3], $0x80, v3, vm0, $0xb8;
	[tilespmem:$0x18100] =	vst v63  }
0x2d: {  	_ = 	snop  }
0x2e: {  	[tilespmem:s25], [sflag:$0x1] =	stream.indirect_vreg.gather [hbm4b:s5+s3], $0x80, v3, vm0, $0xb8;
	[tilespmem:$0x18100] =	vst v63  }
0x2f: {  	_ = 	snop  }
0x30: {  	[tilespmem:s26], [sflag:$0x1] =	stream.indirect_vreg.gather [hbm4b:s6+s3], $0x80, v3, vm0, $0xb8;
	[tilespmem:$0x18100] =	vst v63  }
0x31: {  	v3 =	vld [tilespmem:$0x10];
	_ =	sdelay $0x4  }
0x32: {  	v49 =	vshrl.u32 v3, $0x3  }
0x33: {  	v4 =	vmul.u32 $0x30, v49  }
0x34: {  	v3 =	vand.u32 $0x7, v3  }
0x35: {  	v3 =	vor.u32 v3, v4  }
0x36: {  	v4 =	vperm.xlane v3, v0;
	_ =	sdelay $0x1  }
0x37: {  	v4 =	vadd.s32 v1, v4;
	_ =	sdelay $0x3  }
0x38: {  	v3 =	vperm.xlane v3, v2  }
0x39: {  	[tilespmem:s28], [sflag:$0x1] =	stream.indirect_vreg.gather [hbm4b:s1+s3], $0x80, v4, vm0, $0xb8;
	[tilespmem:$0x18100] =	vst v63  }
0x3a: {  	v3 =	vadd.s32 v1, v3  }
0x3b: {  	[tilespmem:s29], [sflag:$0x1] =	stream.indirect_vreg.gather [hbm4b:s5+s3], $0x80, v4, vm0, $0xb8;
	[tilespmem:$0x18100] =	vst v63  }
0x3c: {  	_ = 	snop  }
0x3d: {  	[tilespmem:s30], [sflag:$0x1] =	stream.indirect_vreg.gather [hbm4b:s6+s3], $0x80, v4, vm0, $0xb8;
	[tilespmem:$0x18100] =	vst v63  }
0x3e: {  	_ = 	snop  }
0x3f: {  	[tilespmem:s31], [sflag:$0x1] =	stream.indirect_vreg.gather [hbm4b:s1+s3], $0x80, v3, vm0, $0xb8;
	[tilespmem:$0x18100] =	vst v63  }
0x40: {  	s9 =	simm.s32 $0x5100  }
0x41: {  	[tilespmem:s9], [sflag:$0x1] =	stream.indirect_vreg.gather [hbm4b:s5+s3], $0x80, v3, vm0, $0xb8;
	[tilespmem:$0x18100] =	vst v63  }
0x42: {  	s8 =	simm.s32 $0x5900  }
0x43: {  	[tilespmem:s8], [sflag:$0x1] =	stream.indirect_vreg.gather [hbm4b:s6+s3], $0x80, v3, vm0, $0xb8;
	[tilespmem:$0x18100] =	vst v63  }
0x44: {  	v3 =	vld [tilespmem:$0x20];
	_ =	sdelay $0x4  }
0x45: {  	v50 =	vshrl.u32 v3, $0x3  }
0x46: {  	v4 =	vmul.u32 $0x30, v50  }
0x47: {  	v3 =	vand.u32 $0x7, v3  }
0x48: {  	v3 =	vor.u32 v3, v4  }
0x49: {  	v4 =	vperm.xlane v3, v0;
	_ =	sdelay $0x1  }
0x4a: {  	v4 =	vadd.s32 v1, v4;
	_ =	sdelay $0x3  }
0x4b: {  	s14 =	simm.s32 $0x6100;
	v3 =	vperm.xlane v3, v2  }
0x4c: {  	[tilespmem:s14], [sflag:$0x2] =	stream.indirect_vreg.gather [hbm4b:s1+s3], $0x80, v4, vm0, $0xb8;
	[tilespmem:$0x18100] =	vst v63  }
0x4d: {  	s18 =	simm.s32 $0x6900;
	v3 =	vadd.s32 v1, v3  }
0x4e: {  	[tilespmem:s18], [sflag:$0x2] =	stream.indirect_vreg.gather [hbm4b:s5+s3], $0x80, v4, vm0, $0xb8;
	[tilespmem:$0x18100] =	vst v63  }
0x4f: {  	s15 =	simm.s32 $0x7100  }
0x50: {  	[tilespmem:s15], [sflag:$0x2] =	stream.indirect_vreg.gather [hbm4b:s6+s3], $0x80, v4, vm0, $0xb8;
	[tilespmem:$0x18100] =	vst v63  }
0x51: {  	s19 =	simm.s32 $0x7900  }
0x52: {  	[tilespmem:s19], [sflag:$0x2] =	stream.indirect_vreg.gather [hbm4b:s1+s3], $0x80, v3, vm0, $0xb8;
	[tilespmem:$0x18100] =	vst v63  }
0x53: {  	_ = 	snop  }
0x54: {  	[tilespmem:s22], [sflag:$0x2] =	stream.indirect_vreg.gather [hbm4b:s5+s3], $0x80, v3, vm0, $0xb8;
	[tilespmem:$0x18100] =	vst v63  }
0x55: {  	s11 =	simm.s32 $0x8900  }
0x56: {  	[tilespmem:s11], [sflag:$0x2] =	stream.indirect_vreg.gather [hbm4b:s6+s3], $0x80, v3, vm0, $0xb8;
	[tilespmem:$0x18100] =	vst v63  }
0x57: {  	v3 =	vld [tilespmem:$0x30];
	_ =	sdelay $0x4  }
0x58: {  	v51 =	vshrl.u32 v3, $0x3  }
0x59: {  	v4 =	vmul.u32 $0x30, v51  }
0x5a: {  	v3 =	vand.u32 $0x7, v3  }
0x5b: {  	v3 =	vor.u32 v3, v4  }
0x5c: {  	v4 =	vperm.xlane v3, v0;
	_ =	sdelay $0x1  }
0x5d: {  	v4 =	vadd.s32 v1, v4;
	_ =	sdelay $0x3  }
0x5e: {  	s12 =	simm.s32 $0x9100;
	v3 =	vperm.xlane v3, v2  }
0x5f: {  	[tilespmem:s12], [sflag:$0x2] =	stream.indirect_vreg.gather [hbm4b:s1+s3], $0x80, v4, vm0, $0xb8;
	[tilespmem:$0x18100] =	vst v63  }
0x60: {  	v3 =	vadd.s32 v1, v3  }
0x61: {  	[tilespmem:s21], [sflag:$0x2] =	stream.indirect_vreg.gather [hbm4b:s5+s3], $0x80, v4, vm0, $0xb8;
	[tilespmem:$0x18100] =	vst v63  }
0x62: {  	s13 =	simm.s32 $0xA100  }
0x63: {  	[tilespmem:s13], [sflag:$0x2] =	stream.indirect_vreg.gather [hbm4b:s6+s3], $0x80, v4, vm0, $0xb8;
	[tilespmem:$0x18100] =	vst v63  }
0x64: {  	s14 =	simm.s32 $0xA900  }
0x65: {  	[tilespmem:s14], [sflag:$0x2] =	stream.indirect_vreg.gather [hbm4b:s1+s3], $0x80, v3, vm0, $0xb8;
	[tilespmem:$0x18100] =	vst v63  }
0x66: {  	s15 =	simm.s32 $0xB100  }
0x67: {  	[tilespmem:s15], [sflag:$0x2] =	stream.indirect_vreg.gather [hbm4b:s5+s3], $0x80, v3, vm0, $0xb8;
	[tilespmem:$0x18100] =	vst v63  }
0x68: {  	_ = 	snop  }
0x69: {  	[tilespmem:s16], [sflag:$0x2] =	stream.indirect_vreg.gather [hbm4b:s6+s3], $0x80, v3, vm0, $0xb8;
	[tilespmem:$0x18100] =	vst v63  }
0x6a: {  	v3 =	vld [tilespmem:$0x40];
	_ =	sdelay $0x4  }
0x6b: {  	v52 =	vshrl.u32 v3, $0x3  }
0x6c: {  	v4 =	vmul.u32 $0x30, v52  }
0x6d: {  	v3 =	vand.u32 $0x7, v3  }
0x6e: {  	v3 =	vor.u32 v3, v4  }
0x6f: {  	v4 =	vperm.xlane v3, v0;
	_ =	sdelay $0x1  }
0x70: {  	v4 =	vadd.s32 v1, v4;
	_ =	sdelay $0x3  }
0x71: {  	v3 =	vperm.xlane v3, v2  }
0x72: {  	[tilespmem:s17], [sflag:$0x3] =	stream.indirect_vreg.gather [hbm4b:s1+s3], $0x80, v4, vm0, $0xb8;
	[tilespmem:$0x18100] =	vst v63  }
0x73: {  	s7 =	simm.s32 $0xC900;
	v3 =	vadd.s32 v1, v3  }
0x74: {  	[tilespmem:s7], [sflag:$0x3] =	stream.indirect_vreg.gather [hbm4b:s5+s3], $0x80, v4, vm0, $0xb8;
	[tilespmem:$0x18100] =	vst v63  }
0x75: {  	s19 =	simm.s32 $0xD100  }
0x76: {  	[tilespmem:s19], [sflag:$0x3] =	stream.indirect_vreg.gather [hbm4b:s6+s3], $0x80, v4, vm0, $0xb8;
	[tilespmem:$0x18100] =	vst v63  }
0x77: {  	s7 =	simm.s32 $0xD900  }
0x78: {  	[tilespmem:s7], [sflag:$0x3] =	stream.indirect_vreg.gather [hbm4b:s1+s3], $0x80, v3, vm0, $0xb8;
	[tilespmem:$0x18100] =	vst v63  }
0x79: {  	s19 =	simm.s32 $0xE100  }
0x7a: {  	[tilespmem:s19], [sflag:$0x3] =	stream.indirect_vreg.gather [hbm4b:s5+s3], $0x80, v3, vm0, $0xb8;
	[tilespmem:$0x18100] =	vst v63  }
0x7b: {  	s7 =	simm.s32 $0xE900  }
0x7c: {  	[tilespmem:s7], [sflag:$0x3] =	stream.indirect_vreg.gather [hbm4b:s6+s3], $0x80, v3, vm0, $0xb8;
	[tilespmem:$0x18100] =	vst v63  }
0x7d: {  	v3 =	vld [tilespmem:$0x50];
	_ =	sdelay $0x4  }
0x7e: {  	v53 =	vshrl.u32 v3, $0x3  }
0x7f: {  	v4 =	vmul.u32 $0x30, v53  }
0x80: {  	v3 =	vand.u32 $0x7, v3  }
0x81: {  	v3 =	vor.u32 v3, v4  }
0x82: {  	v4 =	vperm.xlane v3, v0;
	_ =	sdelay $0x1  }
0x83: {  	v4 =	vadd.s32 v1, v4;
	_ =	sdelay $0x3  }
0x84: {  	s19 =	simm.s32 $0xF100;
	v3 =	vperm.xlane v3, v2  }
0x85: {  	[tilespmem:s19], [sflag:$0x3] =	stream.indirect_vreg.gather [hbm4b:s1+s3], $0x80, v4, vm0, $0xb8;
	[tilespmem:$0x18100] =	vst v63  }
0x86: {  	s7 =	simm.s32 $0xF900;
	v3 =	vadd.s32 v1, v3  }
0x87: {  	[tilespmem:s7], [sflag:$0x3] =	stream.indirect_vreg.gather [hbm4b:s5+s3], $0x80, v4, vm0, $0xb8;
	[tilespmem:$0x18100] =	vst v63  }
0x88: {  	s19 =	simm.s32 $0x10100  }
0x89: {  	[tilespmem:s19], [sflag:$0x3] =	stream.indirect_vreg.gather [hbm4b:s6+s3], $0x80, v4, vm0, $0xb8;
	[tilespmem:$0x18100] =	vst v63  }
0x8a: {  	s7 =	simm.s32 $0x10900  }
0x8b: {  	[tilespmem:s7], [sflag:$0x3] =	stream.indirect_vreg.gather [hbm4b:s1+s3], $0x80, v3, vm0, $0xb8;
	[tilespmem:$0x18100] =	vst v63  }
0x8c: {  	s19 =	simm.s32 $0x11100  }
0x8d: {  	[tilespmem:s19], [sflag:$0x3] =	stream.indirect_vreg.gather [hbm4b:s5+s3], $0x80, v3, vm0, $0xb8;
	[tilespmem:$0x18100] =	vst v63  }
0x8e: {  	s7 =	simm.s32 $0x11900  }
0x8f: {  	[tilespmem:s7], [sflag:$0x3] =	stream.indirect_vreg.gather [hbm4b:s6+s3], $0x80, v3, vm0, $0xb8;
	[tilespmem:$0x18100] =	vst v63  }
0x90: {  	v3 =	vld [tilespmem:$0x60];
	_ =	sdelay $0x4  }
0x91: {  	v54 =	vshrl.u32 v3, $0x3  }
0x92: {  	v4 =	vmul.u32 $0x30, v54  }
0x93: {  	v3 =	vand.u32 $0x7, v3  }
0x94: {  	v3 =	vor.u32 v3, v4  }
0x95: {  	v4 =	vperm.xlane v3, v0;
	_ =	sdelay $0x1  }
0x96: {  	v4 =	vadd.s32 v1, v4;
	_ =	sdelay $0x3  }
0x97: {  	v3 =	vperm.xlane v3, v2  }
0x98: {  	[tilespmem:s4], [sflag:$0x4] =	stream.indirect_vreg.gather [hbm4b:s1+s3], $0x80, v4, vm0, $0xb8;
	[tilespmem:$0x18100] =	vst v63  }
0x99: {  	s19 =	simm.s32 $0x12900;
	v3 =	vadd.s32 v1, v3  }
0x9a: {  	[tilespmem:s19], [sflag:$0x4] =	stream.indirect_vreg.gather [hbm4b:s5+s3], $0x80, v4, vm0, $0xb8;
	[tilespmem:$0x18100] =	vst v63  }
0x9b: {  	s7 =	simm.s32 $0x13100  }
0x9c: {  	[tilespmem:s7], [sflag:$0x4] =	stream.indirect_vreg.gather [hbm4b:s6+s3], $0x80, v4, vm0, $0xb8;
	[tilespmem:$0x18100] =	vst v63  }
0x9d: {  	s19 =	simm.s32 $0x13900  }
0x9e: {  	[tilespmem:s19], [sflag:$0x4] =	stream.indirect_vreg.gather [hbm4b:s1+s3], $0x80, v3, vm0, $0xb8;
	[tilespmem:$0x18100] =	vst v63  }
0x9f: {  	s7 =	simm.s32 $0x14100  }
0xa0: {  	[tilespmem:s7], [sflag:$0x4] =	stream.indirect_vreg.gather [hbm4b:s5+s3], $0x80, v3, vm0, $0xb8;
	[tilespmem:$0x18100] =	vst v63  }
0xa1: {  	s19 =	simm.s32 $0x14900  }
0xa2: {  	[tilespmem:s19], [sflag:$0x4] =	stream.indirect_vreg.gather [hbm4b:s6+s3], $0x80, v3, vm0, $0xb8;
	[tilespmem:$0x18100] =	vst v63  }
0xa3: {  	v3 =	vld [tilespmem:$0x70];
	_ =	sdelay $0x4  }
0xa4: {  	v55 =	vshrl.u32 v3, $0x3  }
0xa5: {  	v4 =	vmul.u32 $0x30, v55  }
0xa6: {  	v3 =	vand.u32 $0x7, v3  }
0xa7: {  	v3 =	vor.u32 v3, v4  }
0xa8: {  	v4 =	vperm.xlane v3, v0;
	_ =	sdelay $0x1  }
0xa9: {  	v4 =	vadd.s32 v1, v4;
	_ =	sdelay $0x3  }
0xaa: {  	s7 =	simm.s32 $0x15100;
	v3 =	vperm.xlane v3, v2  }
0xab: {  	[tilespmem:s7], [sflag:$0x4] =	stream.indirect_vreg.gather [hbm4b:s1+s3], $0x80, v4, vm0, $0xb8;
	[tilespmem:$0x18100] =	vst v63  }
0xac: {  	s19 =	simm.s32 $0x15900;
	v3 =	vadd.s32 v1, v3  }
0xad: {  	[tilespmem:s19], [sflag:$0x4] =	stream.indirect_vreg.gather [hbm4b:s5+s3], $0x80, v4, vm0, $0xb8;
	[tilespmem:$0x18100] =	vst v63  }
0xae: {  	s7 =	simm.s32 $0x16100  }
0xaf: {  	[tilespmem:s7], [sflag:$0x4] =	stream.indirect_vreg.gather [hbm4b:s6+s3], $0x80, v4, vm0, $0xb8;
	[tilespmem:$0x18100] =	vst v63  }
0xb0: {  	s19 =	simm.s32 $0x16900  }
0xb1: {  	[tilespmem:s19], [sflag:$0x4] =	stream.indirect_vreg.gather [hbm4b:s1+s3], $0x80, v3, vm0, $0xb8;
	[tilespmem:$0x18100] =	vst v63  }
0xb2: {  	s7 =	simm.s32 $0x17100  }
0xb3: {  	[tilespmem:s7], [sflag:$0x4] =	stream.indirect_vreg.gather [hbm4b:s5+s3], $0x80, v3, vm0, $0xb8;
	[tilespmem:$0x18100] =	vst v63  }
0xb4: {  	s0 =	simm.s32 $0x1;
	s19 =	simm.s32 $0x17900  }
0xb5: {  	[tilespmem:s19], [sflag:$0x4] =	stream.indirect_vreg.gather [hbm4b:s6+s3], $0x80, v3, vm0, $0xb8;
	[tilespmem:$0x18100] =	vst v63  }
0xb6: {  	_ =	swait.ge [sflag:s0], $0x6000  }
0xb7: {  	[sflag:s0] =	ssyncset.done $0x0  }
0xb8: {  	s7 =	simm.s32 $0x100;
	s19 =	rddreg [dreg:$0xe];
	[sflag:s0] =	ssyncadd.s32 $0xFFFFA000  }
0xb9: {  	[hbm4b:s19+s3] =	stream.linear.scatter [tilespmem:s7], [sflag:$0x5], $0x6000, $0x38;
	[tilespmem:$0x18100] =	vst v63  }
0xba: {  	_ =	swait.ge [sflag:s2], $0x6000  }
0xbb: {  	[sflag:s2] =	ssyncset.done $0x0  }
0xbc: {  	[sflag:s2] =	ssyncadd.s32 $0xFFFFA000  }
0xbd: {  	v3 =	vld [tilespmem:$0x80];
	_ =	sdelay $0x4  }
0xbe: {  	v56 =	vshrl.u32 v3, $0x3  }
0xbf: {  	v4 =	vmul.u32 $0x30, v56  }
0xc0: {  	v3 =	vand.u32 $0x7, v3  }
0xc1: {  	v3 =	vor.u32 v3, v4  }
0xc2: {  	v4 =	vperm.xlane v3, v0;
	_ =	sdelay $0x1  }
0xc3: {  	v4 =	vadd.s32 v1, v4;
	_ =	sdelay $0x3  }
0xc4: {  	v3 =	vperm.xlane v3, v2  }
0xc5: {  	[tilespmem:s7], [sflag:$0x1] =	stream.indirect_vreg.gather [hbm4b:s1+s3], $0x80, v4, vm0, $0xb8;
	[tilespmem:$0x18100] =	vst v63  }
0xc6: {  	v3 =	vadd.s32 v1, v3  }
0xc7: {  	[tilespmem:s20], [sflag:$0x1] =	stream.indirect_vreg.gather [hbm4b:s5+s3], $0x80, v4, vm0, $0xb8;
	[tilespmem:$0x18100] =	vst v63  }
0xc8: {  	_ = 	snop  }
0xc9: {  	[tilespmem:s23], [sflag:$0x1] =	stream.indirect_vreg.gather [hbm4b:s6+s3], $0x80, v4, vm0, $0xb8;
	[tilespmem:$0x18100] =	vst v63  }
0xca: {  	_ = 	snop  }
0xcb: {  	[tilespmem:s24], [sflag:$0x1] =	stream.indirect_vreg.gather [hbm4b:s1+s3], $0x80, v3, vm0, $0xb8;
	[tilespmem:$0x18100] =	vst v63  }
0xcc: {  	_ = 	snop  }
0xcd: {  	[tilespmem:s25], [sflag:$0x1] =	stream.indirect_vreg.gather [hbm4b:s5+s3], $0x80, v3, vm0, $0xb8;
	[tilespmem:$0x18100] =	vst v63  }
0xce: {  	_ = 	snop  }
0xcf: {  	[tilespmem:s26], [sflag:$0x1] =	stream.indirect_vreg.gather [hbm4b:s6+s3], $0x80, v3, vm0, $0xb8;
	[tilespmem:$0x18100] =	vst v63  }
0xd0: {  	v3 =	vld [tilespmem:$0x90];
	_ =	sdelay $0x4  }
0xd1: {  	v57 =	vshrl.u32 v3, $0x3  }
0xd2: {  	v4 =	vmul.u32 $0x30, v57  }
0xd3: {  	v3 =	vand.u32 $0x7, v3  }
0xd4: {  	v3 =	vor.u32 v3, v4  }
0xd5: {  	v4 =	vperm.xlane v3, v0;
	_ =	sdelay $0x1  }
0xd6: {  	v4 =	vadd.s32 v1, v4;
	_ =	sdelay $0x3  }
0xd7: {  	v3 =	vperm.xlane v3, v2  }
0xd8: {  	[tilespmem:s28], [sflag:$0x1] =	stream.indirect_vreg.gather [hbm4b:s1+s3], $0x80, v4, vm0, $0xb8;
	[tilespmem:$0x18100] =	vst v63  }
0xd9: {  	v3 =	vadd.s32 v1, v3  }
0xda: {  	[tilespmem:s29], [sflag:$0x1] =	stream.indirect_vreg.gather [hbm4b:s5+s3], $0x80, v4, vm0, $0xb8;
	[tilespmem:$0x18100] =	vst v63  }
0xdb: {  	_ = 	snop  }
0xdc: {  	[tilespmem:s30], [sflag:$0x1] =	stream.indirect_vreg.gather [hbm4b:s6+s3], $0x80, v4, vm0, $0xb8;
	[tilespmem:$0x18100] =	vst v63  }
0xdd: {  	_ = 	snop  }
0xde: {  	[tilespmem:s31], [sflag:$0x1] =	stream.indirect_vreg.gather [hbm4b:s1+s3], $0x80, v3, vm0, $0xb8;
	[tilespmem:$0x18100] =	vst v63  }
0xdf: {  	_ = 	snop  }
0xe0: {  	[tilespmem:s9], [sflag:$0x1] =	stream.indirect_vreg.gather [hbm4b:s5+s3], $0x80, v3, vm0, $0xb8;
	[tilespmem:$0x18100] =	vst v63  }
0xe1: {  	_ = 	snop  }
0xe2: {  	[tilespmem:s8], [sflag:$0x1] =	stream.indirect_vreg.gather [hbm4b:s6+s3], $0x80, v3, vm0, $0xb8;
	[tilespmem:$0x18100] =	vst v63  }
0xe3: {  	s8 =	simm.s32 $0x2  }
0xe4: {  	_ =	swait.ge [sflag:s8], $0x6000  }
0xe5: {  	s23 =	simm.s32 $0x6100;
	[sflag:s8] =	ssyncset.done $0x0  }
0xe6: {  	s9 =	simm.s32 $0x6;
	s20 =	rddreg [dreg:$0x5];
	[sflag:s8] =	ssyncadd.s32 $0xFFFFA000  }
0xe7: {  	[hbm4b:s20+s3] =	stream.linear.scatter [tilespmem:s23], [sflag:$0x6], $0x6000, $0x38;
	[tilespmem:$0x18100] =	vst v63  }
0xe8: {  	_ =	swait.ge [sflag:s9], $0x6000  }
0xe9: {  	[sflag:s9] =	ssyncset.done $0x0  }
0xea: {  	[sflag:s9] =	ssyncadd.s32 $0xFFFFA000  }
0xeb: {  	v3 =	vld [tilespmem:$0xA0];
	_ =	sdelay $0x4  }
0xec: {  	v58 =	vshrl.u32 v3, $0x3  }
0xed: {  	v4 =	vmul.u32 $0x30, v58  }
0xee: {  	v3 =	vand.u32 $0x7, v3  }
0xef: {  	v3 =	vor.u32 v3, v4  }
0xf0: {  	v4 =	vperm.xlane v3, v0;
	_ =	sdelay $0x1  }
0xf1: {  	v4 =	vadd.s32 v1, v4;
	_ =	sdelay $0x3  }
0xf2: {  	v3 =	vperm.xlane v3, v2  }
0xf3: {  	[tilespmem:s23], [sflag:$0x2] =	stream.indirect_vreg.gather [hbm4b:s1+s3], $0x80, v4, vm0, $0xb8;
	[tilespmem:$0x18100] =	vst v63  }
0xf4: {  	v3 =	vadd.s32 v1, v3  }
0xf5: {  	[tilespmem:s18], [sflag:$0x2] =	stream.indirect_vreg.gather [hbm4b:s5+s3], $0x80, v4, vm0, $0xb8;
	[tilespmem:$0x18100] =	vst v63  }
0xf6: {  	s20 =	simm.s32 $0x7100  }
0xf7: {  	[tilespmem:s20], [sflag:$0x2] =	stream.indirect_vreg.gather [hbm4b:s6+s3], $0x80, v4, vm0, $0xb8;
	[tilespmem:$0x18100] =	vst v63  }
0xf8: {  	s23 =	simm.s32 $0x7900  }
0xf9: {  	[tilespmem:s23], [sflag:$0x2] =	stream.indirect_vreg.gather [hbm4b:s1+s3], $0x80, v3, vm0, $0xb8;
	[tilespmem:$0x18100] =	vst v63  }
0xfa: {  	_ = 	snop  }
0xfb: {  	[tilespmem:s22], [sflag:$0x2] =	stream.indirect_vreg.gather [hbm4b:s5+s3], $0x80, v3, vm0, $0xb8;
	[tilespmem:$0x18100] =	vst v63  }
0xfc: {  	_ = 	snop  }
0xfd: {  	[tilespmem:s11], [sflag:$0x2] =	stream.indirect_vreg.gather [hbm4b:s6+s3], $0x80, v3, vm0, $0xb8;
	[tilespmem:$0x18100] =	vst v63  }
0xfe: {  	v3 =	vld [tilespmem:$0xB0];
	_ =	sdelay $0x4  }
0xff: {  	v59 =	vshrl.u32 v3, $0x3  }
0x100: {  	v4 =	vmul.u32 $0x30, v59  }
0x101: {  	v3 =	vand.u32 $0x7, v3  }
0x102: {  	v3 =	vor.u32 v3, v4  }
0x103: {  	v4 =	vperm.xlane v3, v0;
	_ =	sdelay $0x1  }
0x104: {  	v4 =	vadd.s32 v1, v4;
	_ =	sdelay $0x3  }
0x105: {  	v3 =	vperm.xlane v3, v2  }
0x106: {  	[tilespmem:s12], [sflag:$0x2] =	stream.indirect_vreg.gather [hbm4b:s1+s3], $0x80, v4, vm0, $0xb8;
	[tilespmem:$0x18100] =	vst v63  }
0x107: {  	v3 =	vadd.s32 v1, v3  }
0x108: {  	[tilespmem:s21], [sflag:$0x2] =	stream.indirect_vreg.gather [hbm4b:s5+s3], $0x80, v4, vm0, $0xb8;
	[tilespmem:$0x18100] =	vst v63  }
0x109: {  	_ = 	snop  }
0x10a: {  	[tilespmem:s13], [sflag:$0x2] =	stream.indirect_vreg.gather [hbm4b:s6+s3], $0x80, v4, vm0, $0xb8;
	[tilespmem:$0x18100] =	vst v63  }
0x10b: {  	_ = 	snop  }
0x10c: {  	[tilespmem:s14], [sflag:$0x2] =	stream.indirect_vreg.gather [hbm4b:s1+s3], $0x80, v3, vm0, $0xb8;
	[tilespmem:$0x18100] =	vst v63  }
0x10d: {  	_ = 	snop  }
0x10e: {  	[tilespmem:s15], [sflag:$0x2] =	stream.indirect_vreg.gather [hbm4b:s5+s3], $0x80, v3, vm0, $0xb8;
	[tilespmem:$0x18100] =	vst v63  }
0x10f: {  	s11 =	simm.s32 $0x3  }
0x110: {  	[tilespmem:s16], [sflag:$0x2] =	stream.indirect_vreg.gather [hbm4b:s6+s3], $0x80, v3, vm0, $0xb8;
	[tilespmem:$0x18100] =	vst v63  }
0x111: {  	_ =	swait.ge [sflag:s11], $0x6000  }
0x112: {  	[sflag:s11] =	ssyncset.done $0x0  }
0x113: {  	s12 =	simm.s32 $0x7;
	s15 =	rddreg [dreg:$0x6];
	[sflag:s11] =	ssyncadd.s32 $0xFFFFA000  }
0x114: {  	[hbm4b:s15+s3] =	stream.linear.scatter [tilespmem:s17], [sflag:$0x7], $0x6000, $0x38;
	[tilespmem:$0x18100] =	vst v63  }
0x115: {  	_ =	swait.ge [sflag:s12], $0x6000  }
0x116: {  	[sflag:s12] =	ssyncset.done $0x0  }
0x117: {  	[sflag:s12] =	ssyncadd.s32 $0xFFFFA000  }
0x118: {  	v3 =	vld [tilespmem:$0xC0];
	_ =	sdelay $0x4  }
0x119: {  	v60 =	vshrl.u32 v3, $0x3  }
0x11a: {  	v4 =	vmul.u32 $0x30, v60  }
0x11b: {  	v3 =	vand.u32 $0x7, v3  }
0x11c: {  	v3 =	vor.u32 v3, v4  }
0x11d: {  	v4 =	vperm.xlane v3, v0;
	_ =	sdelay $0x1  }
0x11e: {  	v4 =	vadd.s32 v1, v4;
	_ =	sdelay $0x3  }
0x11f: {  	v3 =	vperm.xlane v3, v2  }
0x120: {  	[tilespmem:s17], [sflag:$0x3] =	stream.indirect_vreg.gather [hbm4b:s1+s3], $0x80, v4, vm0, $0xb8;
	[tilespmem:$0x18100] =	vst v63  }
0x121: {  	s18 =	simm.s32 $0xC900;
	v3 =	vadd.s32 v1, v3  }
0x122: {  	[tilespmem:s18], [sflag:$0x3] =	stream.indirect_vreg.gather [hbm4b:s5+s3], $0x80, v4, vm0, $0xb8;
	[tilespmem:$0x18100] =	vst v63  }
0x123: {  	s19 =	simm.s32 $0xD100  }
0x124: {  	[tilespmem:s19], [sflag:$0x3] =	stream.indirect_vreg.gather [hbm4b:s6+s3], $0x80, v4, vm0, $0xb8;
	[tilespmem:$0x18100] =	vst v63  }
0x125: {  	s20 =	simm.s32 $0xD900  }
0x126: {  	[tilespmem:s20], [sflag:$0x3] =	stream.indirect_vreg.gather [hbm4b:s1+s3], $0x80, v3, vm0, $0xb8;
	[tilespmem:$0x18100] =	vst v63  }
0x127: {  	s23 =	simm.s32 $0xE100  }
0x128: {  	[tilespmem:s23], [sflag:$0x3] =	stream.indirect_vreg.gather [hbm4b:s5+s3], $0x80, v3, vm0, $0xb8;
	[tilespmem:$0x18100] =	vst v63  }
0x129: {  	s14 =	simm.s32 $0xE900  }
0x12a: {  	[tilespmem:s14], [sflag:$0x3] =	stream.indirect_vreg.gather [hbm4b:s6+s3], $0x80, v3, vm0, $0xb8;
	[tilespmem:$0x18100] =	vst v63  }
0x12b: {  	v3 =	vld [tilespmem:$0xD0];
	_ =	sdelay $0x4  }
0x12c: {  	v61 =	vshrl.u32 v3, $0x3  }
0x12d: {  	v4 =	vmul.u32 $0x30, v61  }
0x12e: {  	v3 =	vand.u32 $0x7, v3  }
0x12f: {  	v3 =	vor.u32 v3, v4  }
0x130: {  	v4 =	vperm.xlane v3, v0;
	_ =	sdelay $0x1  }
0x131: {  	v4 =	vadd.s32 v1, v4;
	_ =	sdelay $0x3  }
0x132: {  	s15 =	simm.s32 $0xF100;
	v3 =	vperm.xlane v3, v2  }
0x133: {  	[tilespmem:s15], [sflag:$0x3] =	stream.indirect_vreg.gather [hbm4b:s1+s3], $0x80, v4, vm0, $0xb8;
	[tilespmem:$0x18100] =	vst v63  }
0x134: {  	s18 =	simm.s32 $0xF900;
	v3 =	vadd.s32 v1, v3  }
0x135: {  	[tilespmem:s18], [sflag:$0x3] =	stream.indirect_vreg.gather [hbm4b:s5+s3], $0x80, v4, vm0, $0xb8;
	[tilespmem:$0x18100] =	vst v63  }
0x136: {  	s19 =	simm.s32 $0x10100  }
0x137: {  	[tilespmem:s19], [sflag:$0x3] =	stream.indirect_vreg.gather [hbm4b:s6+s3], $0x80, v4, vm0, $0xb8;
	[tilespmem:$0x18100] =	vst v63  }
0x138: {  	s20 =	simm.s32 $0x10900  }
0x139: {  	[tilespmem:s20], [sflag:$0x3] =	stream.indirect_vreg.gather [hbm4b:s1+s3], $0x80, v3, vm0, $0xb8;
	[tilespmem:$0x18100] =	vst v63  }
0x13a: {  	s23 =	simm.s32 $0x11100  }
0x13b: {  	[tilespmem:s23], [sflag:$0x3] =	stream.indirect_vreg.gather [hbm4b:s5+s3], $0x80, v3, vm0, $0xb8;
	[tilespmem:$0x18100] =	vst v63  }
0x13c: {  	s13 =	simm.s32 $0x4;
	s14 =	simm.s32 $0x11900  }
0x13d: {  	[tilespmem:s14], [sflag:$0x3] =	stream.indirect_vreg.gather [hbm4b:s6+s3], $0x80, v3, vm0, $0xb8;
	[tilespmem:$0x18100] =	vst v63  }
0x13e: {  	_ =	swait.ge [sflag:s13], $0x6000  }
0x13f: {  	[sflag:s13] =	ssyncset.done $0x0  }
0x140: {  	s14 =	simm.s32 $0x8;
	s15 =	rddreg [dreg:$0x7];
	[sflag:s13] =	ssyncadd.s32 $0xFFFFA000  }
0x141: {  	[hbm4b:s15+s3] =	stream.linear.scatter [tilespmem:s4], [sflag:$0x8], $0x6000, $0x38;
	[tilespmem:$0x18100] =	vst v63  }
0x142: {  	_ =	swait.ge [sflag:s14], $0x6000  }
0x143: {  	[sflag:s14] =	ssyncset.done $0x0  }
0x144: {  	[sflag:s14] =	ssyncadd.s32 $0xFFFFA000  }
0x145: {  	v3 =	vld [tilespmem:$0xE0];
	_ =	sdelay $0x4  }
0x146: {  	v62 =	vshrl.u32 v3, $0x3  }
0x147: {  	v4 =	vmul.u32 $0x30, v62  }
0x148: {  	v3 =	vand.u32 $0x7, v3  }
0x149: {  	v3 =	vor.u32 v3, v4  }
0x14a: {  	v4 =	vperm.xlane v3, v0;
	_ =	sdelay $0x1  }
0x14b: {  	v4 =	vadd.s32 v1, v4;
	_ =	sdelay $0x3  }
0x14c: {  	v3 =	vperm.xlane v3, v2  }
0x14d: {  	[tilespmem:s4], [sflag:$0x4] =	stream.indirect_vreg.gather [hbm4b:s1+s3], $0x80, v4, vm0, $0xb8;
	[tilespmem:$0x18100] =	vst v63  }
0x14e: {  	s18 =	simm.s32 $0x12900;
	v3 =	vadd.s32 v1, v3  }
0x14f: {  	[tilespmem:s18], [sflag:$0x4] =	stream.indirect_vreg.gather [hbm4b:s5+s3], $0x80, v4, vm0, $0xb8;
	[tilespmem:$0x18100] =	vst v63  }
0x150: {  	s19 =	simm.s32 $0x13100  }
0x151: {  	[tilespmem:s19], [sflag:$0x4] =	stream.indirect_vreg.gather [hbm4b:s6+s3], $0x80, v4, vm0, $0xb8;
	[tilespmem:$0x18100] =	vst v63  }
0x152: {  	s20 =	simm.s32 $0x13900  }
0x153: {  	[tilespmem:s20], [sflag:$0x4] =	stream.indirect_vreg.gather [hbm4b:s1+s3], $0x80, v3, vm0, $0xb8;
	[tilespmem:$0x18100] =	vst v63  }
0x154: {  	s23 =	simm.s32 $0x14100  }
0x155: {  	[tilespmem:s23], [sflag:$0x4] =	stream.indirect_vreg.gather [hbm4b:s5+s3], $0x80, v3, vm0, $0xb8;
	[tilespmem:$0x18100] =	vst v63  }
0x156: {  	s18 =	simm.s32 $0x14900  }
0x157: {  	[tilespmem:s18], [sflag:$0x4] =	stream.indirect_vreg.gather [hbm4b:s6+s3], $0x80, v3, vm0, $0xb8;
	[tilespmem:$0x18100] =	vst v63  }
0x158: {  	v3 =	vld [tilespmem:$0xF0];
	_ =	sdelay $0x4  }
0x159: {  	v63 =	vshrl.u32 v3, $0x3  }
0x15a: {  	v4 =	vmul.u32 $0x30, v63  }
0x15b: {  	v3 =	vand.u32 $0x7, v3  }
0x15c: {  	v3 =	vor.u32 v3, v4  }
0x15d: {  	v4 =	vperm.xlane v3, v0;
	_ =	sdelay $0x1  }
0x15e: {  	v4 =	vadd.s32 v1, v4;
	_ =	sdelay $0x3  }
0x15f: {  	s19 =	simm.s32 $0x15100;
	v3 =	vperm.xlane v3, v2  }
0x160: {  	[tilespmem:s19], [sflag:$0x4] =	stream.indirect_vreg.gather [hbm4b:s1+s3], $0x80, v4, vm0, $0xb8;
	[tilespmem:$0x18100] =	vst v63  }
0x161: {  	s20 =	simm.s32 $0x15900;
	v3 =	vadd.s32 v1, v3  }
0x162: {  	[tilespmem:s20], [sflag:$0x4] =	stream.indirect_vreg.gather [hbm4b:s5+s3], $0x80, v4, vm0, $0xb8;
	[tilespmem:$0x18100] =	vst v63  }
0x163: {  	s23 =	simm.s32 $0x16100  }
0x164: {  	[tilespmem:s23], [sflag:$0x4] =	stream.indirect_vreg.gather [hbm4b:s6+s3], $0x80, v4, vm0, $0xb8;
	[tilespmem:$0x18100] =	vst v63  }
0x165: {  	s18 =	simm.s32 $0x16900  }
0x166: {  	[tilespmem:s18], [sflag:$0x4] =	stream.indirect_vreg.gather [hbm4b:s1+s3], $0x80, v3, vm0, $0xb8;
	[tilespmem:$0x18100] =	vst v63  }
0x167: {  	s19 =	simm.s32 $0x17100  }
0x168: {  	[tilespmem:s19], [sflag:$0x4] =	stream.indirect_vreg.gather [hbm4b:s5+s3], $0x80, v3, vm0, $0xb8;
	[tilespmem:$0x18100] =	vst v63  }
0x169: {  	s20 =	simm.s32 $0x17900  }
0x16a: {  	[tilespmem:s20], [sflag:$0x4] =	stream.indirect_vreg.gather [hbm4b:s6+s3], $0x80, v3, vm0, $0xb8;
	[tilespmem:$0x18100] =	vst v63  }
0x16b: {  	_ =	swait.ge [sflag:s0], $0x6000  }
0x16c: {  	[sflag:s0] =	ssyncset.done $0x0  }
0x16d: {  	s15 =	simm.s32 $0x100;
	s23 =	rddreg [dreg:$0x8];
	[sflag:s0] =	ssyncadd.s32 $0xFFFFA000  }
0x16e: {  	[hbm4b:s23+s3] =	stream.linear.scatter [tilespmem:s15], [sflag:$0x5], $0x6000, $0x38;
	[tilespmem:$0x18100] =	vst v63  }
0x16f: {  	_ =	swait.ge [sflag:s8], $0x6000  }
0x170: {  	[sflag:s8] =	ssyncset.done $0x0  }
0x171: {  	s7 =	simm.s32 $0x6100;
	s18 =	rddreg [dreg:$0x9];
	[sflag:s8] =	ssyncadd.s32 $0xFFFFA000  }
0x172: {  	[hbm4b:s18+s3] =	stream.linear.scatter [tilespmem:s7], [sflag:$0x6], $0x6000, $0x38;
	[tilespmem:$0x18100] =	vst v63  }
0x173: {  	_ =	swait.ge [sflag:s11], $0x6000  }
0x174: {  	[sflag:s11] =	ssyncset.done $0x0  }
0x175: {  	s20 =	rddreg [dreg:$0xa];
	[sflag:s11] =	ssyncadd.s32 $0xFFFFA000  }
0x176: {  	[hbm4b:s20+s3] =	stream.linear.scatter [tilespmem:s17], [sflag:$0x7], $0x6000, $0x38;
	[tilespmem:$0x18100] =	vst v63  }
0x177: {  	_ =	swait.ge [sflag:s13], $0x6000  }
0x178: {  	[sflag:s13] =	ssyncset.done $0x0  }
0x179: {  	s23 =	rddreg [dreg:$0xb];
	[sflag:s13] =	ssyncadd.s32 $0xFFFFA000  }
0x17a: {  	[hbm4b:s23+s3] =	stream.linear.scatter [tilespmem:s4], [sflag:$0x8], $0x6000, $0x38;
	[tilespmem:$0x18100] =	vst v63  }
0x17b: {  	_ =	swait.ge [sflag:s2], $0x6000  }
0x17c: {  	[sflag:s2] =	ssyncset.done $0x0  }
0x17d: {  	[sflag:s2] =	ssyncadd.s32 $0xFFFFA000  }
0x17e: {  	_ =	swait.ge [sflag:s9], $0x6000  }
0x17f: {  	[sflag:s9] =	ssyncset.done $0x0  }
0x180: {  	[sflag:s9] =	ssyncadd.s32 $0xFFFFA000  }
0x181: {  	p0 =	sne.s32 s10, $0x1;
	_ =	swait.ge [sflag:s12], $0x6000  }
.Ltmp0:
0x182: {  	[sflag:s12] =	ssyncset.done $0x0;
	(pc) =	sbr.rel @p0 .LBB2_1-.Ltmp0, $4  }
0x183: {  	[sflag:s12] =	ssyncadd.s32 $0xFFFFA000  }
0x184: {  	_ =	swait.ge [sflag:s14], $0x6000  }
0x185: {  	[sflag:s14] =	ssyncset.done $0x0  }
0x186: {  	s10 =	sadd.s32 $0xFFFFFFFF, s10;
	[sflag:s14] =	ssyncadd.s32 $0xFFFFA000  }
0x187: {  	_ =	sfence.sel $0x180000  }
0x188: {  	[bflag:$0x0] =	sbarrier.arrive $0xFFFF  }
0x189: {  	_ =	strace $0x90000047  }
0x18a: {  	s0 =	stileid.u32;
	[bflag:$0x2] =	sbarrier.arrive $0xFFFF  }
0x18b: {  	p0 =	sne.s32 s0, $0x0;
	s0 =	rddreg [dreg:$0x3]  }
0x18c: {  	s0 =	sadd.s32 @!p0 $0x100000, s0  }
0x18d: {  	[sflag:s0] =	ssyncadd.tile.s32 @!p0 $0x1;
	_ =	shalt  }
.Lfunc_end2:
_tile_overlayer_lowered:
.L_overlay_start_2:
0x18e: {  	(tag) =	ssettag $0x2  }
0x18f: {  	s0 =	rddreg [dreg:$0x0];
	s2 =	stileid.u32  }
0x190: {  	s1 =	rddreg [dreg:$0x1];
	p0 =	sne.s32 s2, $0x0  }
0x191: {  	s3 =	rddreg [dreg:$0x2];
	[bflag:$0x3] =	sbarrier.arrive $0xFFFF;
	s2 =	simm.s32 @!p0 $0x1C09  }
0x192: {  	[timem:s3], [sflag:s2] =	dma.local @!p0 [hbm:s0], s1  }
0x193: {  	s0 =	simm.s32 @!p0 $0x9  }
0x194: {  	_ =	swait.ge @!p0 [sflag:s0], s1  }
0x195: {  	s1 =	ssub.s32 @!p0 $0x0, s1;
	[sflag:s0] =	ssyncset.done @!p0 $0x0  }
0x196: {  	[sflag:s0] =	ssyncadd.s32 @!p0 s1  }
0x197: {  	[bflag:$0x3] =	sbarrier.arrive $0xFFFF  }
0x198: {  	_ =	shalt  }

</sc_bundles>
